<compile_context>
chip_gen: v7x
topology: tpu7x:2x2x1
jax: 0.10.2.dev20260603
libtpu: 0.0.44.dev20260713+nightly
codegen_flags: <defaults>
</compile_context>

<pallas_src>
import functools

import jax
import jax.numpy as jnp
from jax import lax
from jax.experimental import pallas as pl
from jax.experimental.pallas import tpu as pltpu
from jax.experimental.pallas import tpu_sc as plsc

N_NODES = 10000
IN_DIM = 128
OUT_DIM = 128
NUM_REL = 8
NUM_BASES = 4
N_EDGES = 160000

NC = 2
NS = 16
CHUNK = 128
CPW = 40
E_PAD = NC * NS * CPW * CHUNK
ACC_ROWS = 10240
ZROWS = 640

BN = 1000


ECB = N_EDGES // 10 // CHUNK
PCB = E_PAD // 10 // CHUNK - ECB


def _mm_body(coeff_ref, basis_ref, x_ref, wselfT_ref, ei_ref, et_ref,
             z_ref, out0_ref, gidx_ref, dst_ref, wfull_ref):
    @pl.when(pl.program_id(0) == 0)
    def _():
        for r in range(NUM_REL):
            acc = coeff_ref[r, 0] * basis_ref[0]
            for b in range(1, NUM_BASES):
                acc = acc + coeff_ref[r, b] * basis_ref[b]
            wfull_ref[:, r * OUT_DIM:(r + 1) * OUT_DIM] = acc

    xb = x_ref[...]
    y = jnp.dot(xb, wfull_ref[...], preferred_element_type=jnp.float32)
    for r in range(NUM_REL):
        z_ref[r] = y[:, r * OUT_DIM:(r + 1) * OUT_DIM]
    out0_ref[...] = jnp.dot(xb, wselfT_ref[...], preferred_element_type=jnp.float32)

    iot = (lax.broadcasted_iota(jnp.int32, (PCB, CHUNK), 0) * CHUNK
           + lax.broadcasted_iota(jnp.int32, (PCB, CHUNK), 1))
    src2 = ei_ref[0].reshape(ECB, CHUNK)
    dstb = ei_ref[1].reshape(ECB, CHUNK)
    et2 = et_ref[pl.ds(pl.program_id(0) * ECB * CHUNK,
                       ECB * CHUNK)].reshape(ECB, CHUNK)
    gidx_ref[...] = jnp.concatenate([et2 * N_NODES + src2, iot], axis=0)
    dst_ref[...] = jnp.concatenate(
        [dstb, N_NODES + iot % (ACC_ROWS - N_NODES)], axis=0)


def _fin_body(out0_ref, p0_ref, p1_ref, bias_ref, o_ref):
    o_ref[...] = jnp.maximum(
        out0_ref[...] + p0_ref[0] + p1_ref[0] + bias_ref[...], 0.0)


def _sc_body(z_hbm, gidx_hbm, dst_hbm, zero_hbm, out_hbm,
             gidx_v, dst_v, rows0, rows1, acc_sh, gsem0, gsem1, ssem0, ssem1):
    c = lax.axis_index("c")
    s = lax.axis_index("s")
    row0 = (c * NS + s) * CPW
    z0 = pltpu.async_copy(zero_hbm, acc_sh.at[pl.ds(s * ZROWS, ZROWS)], gsem0)
    i0 = pltpu.async_copy(gidx_hbm.at[pl.ds(row0, CPW)], gidx_v, gsem1)
    i1 = pltpu.async_copy(dst_hbm.at[pl.ds(row0, CPW)], dst_v, ssem0)
    z0.wait()
    i0.wait()
    i1.wait()
    plsc.subcore_barrier()

    def wait_gather(buf, sem):
        pltpu.make_async_copy(z_hbm.at[gidx_v.at[0]], buf, sem).wait()

    def wait_scatter(buf, sem):
        pltpu.make_async_copy(buf, acc_sh.at[dst_v.at[0]], sem).wait()

    pltpu.async_copy(z_hbm.at[gidx_v.at[0]], rows0, gsem0)
    pltpu.async_copy(z_hbm.at[gidx_v.at[1]], rows1, gsem1)

    def body(k, carry):
        j0 = 2 * k
        wait_gather(rows0, gsem0)
        pltpu.async_copy(rows0, acc_sh.at[dst_v.at[j0]], ssem0, add=True)
        wait_gather(rows1, gsem1)
        pltpu.async_copy(rows1, acc_sh.at[dst_v.at[j0 + 1]], ssem1, add=True)
        nxt0 = jnp.minimum(j0 + 2, CPW - 1)
        nxt1 = jnp.minimum(j0 + 3, CPW - 1)
        wait_scatter(rows0, ssem0)
        pltpu.async_copy(z_hbm.at[gidx_v.at[nxt0]], rows0, gsem0)
        wait_scatter(rows1, ssem1)
        pltpu.async_copy(z_hbm.at[gidx_v.at[nxt1]], rows1, gsem1)
        return carry

    lax.fori_loop(0, CPW // 2, body, 0)
    wait_gather(rows0, gsem0)
    wait_gather(rows1, gsem1)
    plsc.subcore_barrier()
    r = s * ZROWS
    pltpu.sync_copy(acc_sh.at[pl.ds(r, ZROWS)],
                    out_hbm.at[pl.ds(c * ACC_ROWS + r, ZROWS)])


def kernel(x, edge_index, edge_type, basis_weights, coeff, W_self, bias):
    f32 = jnp.float32

    mm = pl.pallas_call(
        _mm_body,
        grid=(N_NODES // BN,),
        in_specs=[
            pl.BlockSpec(memory_space=pltpu.SMEM),
            pl.BlockSpec((NUM_BASES, IN_DIM, OUT_DIM), lambda i: (0, 0, 0)),
            pl.BlockSpec((BN, IN_DIM), lambda i: (i, 0)),
            pl.BlockSpec((IN_DIM, OUT_DIM), lambda i: (0, 0)),
            pl.BlockSpec((2, ECB * CHUNK), lambda i: (0, i)),
            pl.BlockSpec((N_EDGES,), lambda i: (0,)),
        ],
        out_specs=[
            pl.BlockSpec((NUM_REL, BN, OUT_DIM), lambda i: (0, i, 0)),
            pl.BlockSpec((BN, OUT_DIM), lambda i: (i, 0)),
            pl.BlockSpec((ECB + PCB, CHUNK), lambda i: (i, 0)),
            pl.BlockSpec((ECB + PCB, CHUNK), lambda i: (i, 0)),
        ],
        out_shape=[
            jax.ShapeDtypeStruct((NUM_REL, N_NODES, OUT_DIM), f32),
            jax.ShapeDtypeStruct((N_NODES, OUT_DIM), f32),
            jax.ShapeDtypeStruct((E_PAD // CHUNK, CHUNK), jnp.int32),
            jax.ShapeDtypeStruct((E_PAD // CHUNK, CHUNK), jnp.int32),
        ],
        scratch_shapes=[pltpu.VMEM((IN_DIM, NUM_REL * OUT_DIM), f32)],
    )
    z, out0, gidx2d, dst2d = mm(
        coeff, basis_weights, x, W_self.T, edge_index, edge_type)
    z_rows = z.reshape(N_NODES * NUM_REL, OUT_DIM)
    zero_blk = jnp.zeros((ZROWS, OUT_DIM), f32)

    mesh = plsc.VectorSubcoreMesh(core_axis_name="c", subcore_axis_name="s",
                                  num_cores=NC, num_subcores=NS)
    sc = functools.partial(
        pl.kernel,
        out_type=jax.ShapeDtypeStruct((NC * ACC_ROWS, OUT_DIM), f32),
        mesh=mesh,
        scratch_types=[
            pltpu.VMEM((CPW, CHUNK), jnp.int32),
            pltpu.VMEM((CPW, CHUNK), jnp.int32),
            pltpu.VMEM((CHUNK, OUT_DIM), f32),
            pltpu.VMEM((CHUNK, OUT_DIM), f32),
            pltpu.VMEM_SHARED((ACC_ROWS, OUT_DIM), f32),
            pltpu.SemaphoreType.DMA,
            pltpu.SemaphoreType.DMA,
            pltpu.SemaphoreType.DMA,
            pltpu.SemaphoreType.DMA,
        ],
    )(_sc_body)
    partials = sc(z_rows, gidx2d, dst2d, zero_blk)

    p3 = partials.reshape(NC, ACC_ROWS, OUT_DIM)
    BF = 1000
    fin = pl.pallas_call(
        _fin_body,
        grid=(N_NODES // BF,),
        in_specs=[
            pl.BlockSpec((BF, OUT_DIM), lambda i: (i, 0)),
            pl.BlockSpec((1, BF, OUT_DIM), lambda i: (0, i, 0)),
            pl.BlockSpec((1, BF, OUT_DIM), lambda i: (1, i, 0)),
            pl.BlockSpec((1, OUT_DIM), lambda i: (0, 0)),
        ],
        out_specs=pl.BlockSpec((BF, OUT_DIM), lambda i: (i, 0)),
        out_shape=jax.ShapeDtypeStruct((N_NODES, OUT_DIM), f32),
    )
    return fin(out0, p3, p3, bias[None, :])

# --- scband reference (transcript-rebuilt; emitter-appended) ---
"""Pipeline reference for scband-true-rgcnconv-9122510537206 (READ-ONLY COPY).

The authoritative reference and input builder live on the scoring server;
editing this copy changes nothing except your own understanding.
"""

import jax, jax.numpy as jnp
import numpy as np

N_NODES = 10000
N_EDGES = 160000
IN_DIM = 128
OUT_DIM = 128
NUM_RELATIONS = 8
NUM_BASES = 4


def _xavier_uniform(key, shape):
    fan_in, fan_out = shape[-2], shape[-1]
    limit = float(np.sqrt(6.0 / (fan_in + fan_out)))
    return jax.random.uniform(key, shape, minval=-limit, maxval=limit, dtype=jnp.float32)


def setup_inputs(seed: int = 0) -> dict:
    key = jax.random.key(seed)
    ks = jax.random.split(key, 7)
    x = jax.random.normal(ks[0], (N_NODES, IN_DIM), dtype=jnp.float32)
    edge_index = jax.random.randint(ks[1], (2, N_EDGES), 0, N_NODES, dtype=jnp.int32)
    edge_type = jax.random.randint(ks[2], (N_EDGES,), 0, NUM_RELATIONS, dtype=jnp.int32)
    basis_weights = _xavier_uniform(ks[3], (NUM_BASES, IN_DIM, OUT_DIM))
    coeff = _xavier_uniform(ks[4], (NUM_RELATIONS, NUM_BASES))
    # nn.Linear(in_dim, out_dim, bias=False): weight shape [out_dim, in_dim]
    W_self = _xavier_uniform(ks[5], (OUT_DIM, IN_DIM))
    bias = jnp.zeros((OUT_DIM,), dtype=jnp.float32)
    return {
        "x": x,
        "edge_index": edge_index,
        "edge_type": edge_type,
        "basis_weights": basis_weights,
        "coeff": coeff,
        "W_self": W_self,
        "bias": bias,
    }


def reference(x, edge_index, edge_type, basis_weights, coeff, W_self, bias):
    # self-loop message: nn.Linear -> x @ W.T
    out = x @ W_self.T
    src = edge_index[0]
    dst = edge_index[1]
    xs = jnp.take(x, src, axis=0)  # gather source node features [E, in_dim]
    num_relations = coeff.shape[0]
    for r in range(num_relations):
        # weight_r = sum_b coeff[r, b] * basis_weights[b]  (einsum 'rb,bio->rio' squeezed)
        weight = jnp.einsum('b,bio->io', coeff[r], basis_weights)
        # torch selects masked edges then mm + index_add; masking rows to zero
        # before the matmul and scattering all edges is mathematically identical.
        mask = (edge_type == r).astype(x.dtype)[:, None]
        transformed = (xs * mask) @ weight  # [E, out_dim]
        out = out.at[dst].add(transformed)  # index_add_ on target nodes
    out = out + bias
    # dropout is identity in eval / deterministic mode
    return jax.nn.relu(out)

if __name__ == "__main__":
    import jax
    _d = setup_inputs()
    print(jax.jit(kernel)(*tuple(_d.values())))

</pallas_src>

<mosaic_0001>
#map = affine_map<(d0, d1) -> (0, 0)>
module attributes {stable_mosaic.version = 14 : i64} {
  func.func @_sc_body(%arg0: i32, %arg1: i32, %arg2: memref<80000x128xf32, #tpu.memory_space<hbm>>, %arg3: memref<1280x128xi32, #tpu.memory_space<hbm>>, %arg4: memref<1280x128xi32, #tpu.memory_space<hbm>>, %arg5: memref<640x128xf32, #tpu.memory_space<hbm>>, %arg6: memref<20480x128xf32, #tpu.memory_space<hbm>>, %arg7: memref<40x128xi32, #tpu.memory_space<vmem>>, %arg8: memref<40x128xi32, #tpu.memory_space<vmem>>, %arg9: memref<128x128xf32, #tpu.memory_space<vmem>>, %arg10: memref<128x128xf32, #tpu.memory_space<vmem>>, %arg11: memref<10240x128xf32, #tpu.memory_space<vmem_shared>>, %arg12: memref<!tpu.dma_semaphore, #tpu.memory_space<semaphore_mem>>, %arg13: memref<!tpu.dma_semaphore, #tpu.memory_space<semaphore_mem>>, %arg14: memref<!tpu.dma_semaphore, #tpu.memory_space<semaphore_mem>>, %arg15: memref<!tpu.dma_semaphore, #tpu.memory_space<semaphore_mem>>) attributes {dimension_semantics = [#tpu.dimension_semantics<core_parallel>, #tpu.dimension_semantics<subcore_parallel>], iteration_bounds = array<i64: 2, 16>, scalar_prefetch = 0 : i64, scratch_operands = 9 : i64, tpu.core_type = #tpu.core_type<sc_vector_subcore>, window_params = [{transform_indices = #map}, {transform_indices = #map}, {transform_indices = #map}, {transform_indices = #map}, {transform_indices = #map}]} {
    %mul3A = arith.constant 16 : i32
    %mul3A_0 = arith.muli %arg0, %mul3A : i32
    %add3A = arith.addi %mul3A_0, %arg1 : i32
    %mul3A_1 = arith.constant 40 : i32
    %mul3A_2 = arith.muli %add3A, %mul3A_1 : i32
    %mul3A_3 = arith.constant 640 : i32
    %mul3A_4 = arith.muli %arg1, %mul3A_3 : i32
    %dma_start3A = arith.constant 0 : i32
    %dma_start3A_5 = tpu.memref_slice %arg11[%mul3A_4, %dma_start3A] : memref<10240x128xf32, #tpu.memory_space<vmem_shared>> -> memref<640x128xf32, #tpu.memory_space<vmem_shared>>
    tpu.enqueue_dma source(%arg5 : memref<640x128xf32, #tpu.memory_space<hbm>>) target(%dma_start3A_5 : memref<640x128xf32, #tpu.memory_space<vmem_shared>>) target_semaphore(%arg12 : memref<!tpu.dma_semaphore, #tpu.memory_space<semaphore_mem>>)
    %dma_start3A_6 = arith.constant 0 : i32
    %dma_start3A_7 = tpu.memref_slice %arg3[%mul3A_2, %dma_start3A_6] : memref<1280x128xi32, #tpu.memory_space<hbm>> -> memref<40x128xi32, #tpu.memory_space<hbm>>
    %dma_start3A_8 = arith.constant 0 : i32
    %dma_start3A_9 = tpu.memref_slice %arg3[%mul3A_2, %dma_start3A_8] : memref<1280x128xi32, #tpu.memory_space<hbm>> -> memref<40x128xi32, #tpu.memory_space<hbm>>
    tpu.enqueue_dma source(%dma_start3A_9 : memref<40x128xi32, #tpu.memory_space<hbm>>) target(%arg7 : memref<40x128xi32, #tpu.memory_space<vmem>>) target_semaphore(%arg13 : memref<!tpu.dma_semaphore, #tpu.memory_space<semaphore_mem>>)
    %dma_start3A_10 = arith.constant 0 : i32
    %dma_start3A_11 = tpu.memref_slice %arg4[%mul3A_2, %dma_start3A_10] : memref<1280x128xi32, #tpu.memory_space<hbm>> -> memref<40x128xi32, #tpu.memory_space<hbm>>
    %dma_start3A_12 = arith.constant 0 : i32
    %dma_start3A_13 = tpu.memref_slice %arg4[%mul3A_2, %dma_start3A_12] : memref<1280x128xi32, #tpu.memory_space<hbm>> -> memref<40x128xi32, #tpu.memory_space<hbm>>
    tpu.enqueue_dma source(%dma_start3A_13 : memref<40x128xi32, #tpu.memory_space<hbm>>) target(%arg8 : memref<40x128xi32, #tpu.memory_space<vmem>>) target_semaphore(%arg14 : memref<!tpu.dma_semaphore, #tpu.memory_space<semaphore_mem>>)
    %dma_wait3A = arith.constant 0 : i32
    %dma_wait3A_14 = tpu.memref_slice %arg11[%mul3A_4, %dma_wait3A] : memref<10240x128xf32, #tpu.memory_space<vmem_shared>> -> memref<640x128xf32, #tpu.memory_space<vmem_shared>>
    tpu.wait_dma2 semaphore(%arg12 : memref<!tpu.dma_semaphore, #tpu.memory_space<semaphore_mem>>) src(%arg5 : memref<640x128xf32, #tpu.memory_space<hbm>>) dst(%dma_wait3A_14 : memref<640x128xf32, #tpu.memory_space<vmem_shared>>)
    %dma_wait3A_15 = arith.constant 0 : i32
    %dma_wait3A_16 = tpu.memref_slice %arg3[%mul3A_2, %dma_wait3A_15] : memref<1280x128xi32, #tpu.memory_space<hbm>> -> memref<40x128xi32, #tpu.memory_space<hbm>>
    %dma_wait3A_17 = arith.constant 0 : i32
    %dma_wait3A_18 = tpu.memref_slice %arg3[%mul3A_2, %dma_wait3A_17] : memref<1280x128xi32, #tpu.memory_space<hbm>> -> memref<40x128xi32, #tpu.memory_space<hbm>>
    tpu.wait_dma2 semaphore(%arg13 : memref<!tpu.dma_semaphore, #tpu.memory_space<semaphore_mem>>) src(%dma_wait3A_18 : memref<40x128xi32, #tpu.memory_space<hbm>>) dst(%arg7 : memref<40x128xi32, #tpu.memory_space<vmem>>)
    %dma_wait3A_19 = arith.constant 0 : i32
    %dma_wait3A_20 = tpu.memref_slice %arg4[%mul3A_2, %dma_wait3A_19] : memref<1280x128xi32, #tpu.memory_space<hbm>> -> memref<40x128xi32, #tpu.memory_space<hbm>>
    %dma_wait3A_21 = arith.constant 0 : i32
    %dma_wait3A_22 = tpu.memref_slice %arg4[%mul3A_2, %dma_wait3A_21] : memref<1280x128xi32, #tpu.memory_space<hbm>> -> memref<40x128xi32, #tpu.memory_space<hbm>>
    tpu.wait_dma2 semaphore(%arg14 : memref<!tpu.dma_semaphore, #tpu.memory_space<semaphore_mem>>) src(%dma_wait3A_22 : memref<40x128xi32, #tpu.memory_space<hbm>>) dst(%arg8 : memref<40x128xi32, #tpu.memory_space<vmem>>)
    %barrier3A = arith.constant 0 : index
    tpu.barrier barrier_id(%barrier3A)
    %dma_start3A_23 = arith.constant 0 : i32
    %dma_start3A_24 = arith.constant 0 : i32
    %dma_start3A_25 = tpu.memref_slice %arg7[%dma_start3A_23, %dma_start3A_24] : memref<40x128xi32, #tpu.memory_space<vmem>> -> memref<1x128xi32, #tpu.memory_space<vmem>>
    %dma_start3A_26 = tpu.memref_squeeze %dma_start3A_25 : memref<1x128xi32, #tpu.memory_space<vmem>> -> memref<128xi32, #tpu.memory_space<vmem>>
    %dma_start3A_27 = arith.constant 0 : i32
    %dma_start3A_28 = arith.constant 0 : i32
    %dma_start3A_29 = tpu.memref_slice %arg2[%dma_start3A_27, %dma_start3A_28] : memref<80000x128xf32, #tpu.memory_space<hbm>> -> memref<80000x128xf32, #tpu.memory_space<hbm>>
    tpu.enqueue_indirect_dma source(%dma_start3A_29 : memref<80000x128xf32, #tpu.memory_space<hbm>>) target(%arg9 : memref<128x128xf32, #tpu.memory_space<vmem>>) offsets(%dma_start3A_26 : memref<128xi32, #tpu.memory_space<vmem>>) semaphore(%arg12 : memref<!tpu.dma_semaphore, #tpu.memory_space<semaphore_mem>>)
    %dma_start3A_30 = arith.constant 1 : i32
    %dma_start3A_31 = arith.constant 0 : i32
    %dma_start3A_32 = tpu.memref_slice %arg7[%dma_start3A_30, %dma_start3A_31] : memref<40x128xi32, #tpu.memory_space<vmem>> -> memref<1x128xi32, #tpu.memory_space<vmem>>
    %dma_start3A_33 = tpu.memref_squeeze %dma_start3A_32 : memref<1x128xi32, #tpu.memory_space<vmem>> -> memref<128xi32, #tpu.memory_space<vmem>>
    %dma_start3A_34 = arith.constant 0 : i32
    %dma_start3A_35 = arith.constant 0 : i32
    %dma_start3A_36 = tpu.memref_slice %arg2[%dma_start3A_34, %dma_start3A_35] : memref<80000x128xf32, #tpu.memory_space<hbm>> -> memref<80000x128xf32, #tpu.memory_space<hbm>>
    tpu.enqueue_indirect_dma source(%dma_start3A_36 : memref<80000x128xf32, #tpu.memory_space<hbm>>) target(%arg10 : memref<128x128xf32, #tpu.memory_space<vmem>>) offsets(%dma_start3A_33 : memref<128xi32, #tpu.memory_space<vmem>>) semaphore(%arg13 : memref<!tpu.dma_semaphore, #tpu.memory_space<semaphore_mem>>)
    %scan3A = arith.constant 0 : i32
    %scan3A_37 = arith.constant 0 : i32
    %scan3A_38 = arith.constant 20 : i32
    %scan3A_39 = arith.addi %scan3A_37, %scan3A_38 : i32
    %scan3A_40 = arith.constant 1 : i32
    scf.for %scan3A_62 = %scan3A_37 to %scan3A_39 step %scan3A_40  : i32 {
      %mul3A_63 = arith.constant 2 : i32
      %mul3A_64 = arith.muli %mul3A_63, %scan3A_62 : i32
      %dma_wait3A_65 = arith.constant 0 : i32
      %dma_wait3A_66 = arith.constant 0 : i32
      %dma_wait3A_67 = tpu.memref_slice %arg7[%dma_wait3A_65, %dma_wait3A_66] : memref<40x128xi32, #tpu.memory_space<vmem>> -> memref<1x128xi32, #tpu.memory_space<vmem>>
      %dma_wait3A_68 = tpu.memref_squeeze %dma_wait3A_67 : memref<1x128xi32, #tpu.memory_space<vmem>> -> memref<128xi32, #tpu.memory_space<vmem>>
      %dma_wait3A_69 = arith.constant 0 : i32
      %dma_wait3A_70 = arith.constant 0 : i32
      %dma_wait3A_71 = tpu.memref_slice %arg2[%dma_wait3A_69, %dma_wait3A_70] : memref<80000x128xf32, #tpu.memory_space<hbm>> -> memref<80000x128xf32, #tpu.memory_space<hbm>>
      tpu.wait_indirect_dma semaphore(%arg12 : memref<!tpu.dma_semaphore, #tpu.memory_space<semaphore_mem>>) src(%dma_wait3A_71 : memref<80000x128xf32, #tpu.memory_space<hbm>>) dst(%arg9 : memref<128x128xf32, #tpu.memory_space<vmem>>)
      %dma_start3A_72 = arith.constant 0 : i32
      %dma_start3A_73 = tpu.memref_slice %arg8[%mul3A_64, %dma_start3A_72] : memref<40x128xi32, #tpu.memory_space<vmem>> -> memref<1x128xi32, #tpu.memory_space<vmem>>
      %dma_start3A_74 = tpu.memref_squeeze %dma_start3A_73 : memref<1x128xi32, #tpu.memory_space<vmem>> -> memref<128xi32, #tpu.memory_space<vmem>>
      %dma_start3A_75 = arith.constant 0 : i32
      %dma_start3A_76 = arith.constant 0 : i32
      %dma_start3A_77 = tpu.memref_slice %arg11[%dma_start3A_75, %dma_start3A_76] : memref<10240x128xf32, #tpu.memory_space<vmem_shared>> -> memref<10240x128xf32, #tpu.memory_space<vmem_shared>>
      tpu.enqueue_indirect_dma source(%arg9 : memref<128x128xf32, #tpu.memory_space<vmem>>) target(%dma_start3A_77 : memref<10240x128xf32, #tpu.memory_space<vmem_shared>>) offsets(%dma_start3A_74 : memref<128xi32, #tpu.memory_space<vmem>>) semaphore(%arg14 : memref<!tpu.dma_semaphore, #tpu.memory_space<semaphore_mem>>) {add = true}
      %dma_wait3A_78 = arith.constant 0 : i32
      %dma_wait3A_79 = arith.constant 0 : i32
      %dma_wait3A_80 = tpu.memref_slice %arg7[%dma_wait3A_78, %dma_wait3A_79] : memref<40x128xi32, #tpu.memory_space<vmem>> -> memref<1x128xi32, #tpu.memory_space<vmem>>
      %dma_wait3A_81 = tpu.memref_squeeze %dma_wait3A_80 : memref<1x128xi32, #tpu.memory_space<vmem>> -> memref<128xi32, #tpu.memory_space<vmem>>
      %dma_wait3A_82 = arith.constant 0 : i32
      %dma_wait3A_83 = arith.constant 0 : i32
      %dma_wait3A_84 = tpu.memref_slice %arg2[%dma_wait3A_82, %dma_wait3A_83] : memref<80000x128xf32, #tpu.memory_space<hbm>> -> memref<80000x128xf32, #tpu.memory_space<hbm>>
      tpu.wait_indirect_dma semaphore(%arg13 : memref<!tpu.dma_semaphore, #tpu.memory_space<semaphore_mem>>) src(%dma_wait3A_84 : memref<80000x128xf32, #tpu.memory_space<hbm>>) dst(%arg10 : memref<128x128xf32, #tpu.memory_space<vmem>>)
      %add3A_85 = arith.constant 1 : i32
      %add3A_86 = arith.addi %mul3A_64, %add3A_85 : i32
      %dma_start3A_87 = arith.constant 0 : i32
      %dma_start3A_88 = tpu.memref_slice %arg8[%add3A_86, %dma_start3A_87] : memref<40x128xi32, #tpu.memory_space<vmem>> -> memref<1x128xi32, #tpu.memory_space<vmem>>
      %dma_start3A_89 = tpu.memref_squeeze %dma_start3A_88 : memref<1x128xi32, #tpu.memory_space<vmem>> -> memref<128xi32, #tpu.memory_space<vmem>>
      %dma_start3A_90 = arith.constant 0 : i32
      %dma_start3A_91 = arith.constant 0 : i32
      %dma_start3A_92 = tpu.memref_slice %arg11[%dma_start3A_90, %dma_start3A_91] : memref<10240x128xf32, #tpu.memory_space<vmem_shared>> -> memref<10240x128xf32, #tpu.memory_space<vmem_shared>>
      tpu.enqueue_indirect_dma source(%arg10 : memref<128x128xf32, #tpu.memory_space<vmem>>) target(%dma_start3A_92 : memref<10240x128xf32, #tpu.memory_space<vmem_shared>>) offsets(%dma_start3A_89 : memref<128xi32, #tpu.memory_space<vmem>>) semaphore(%arg15 : memref<!tpu.dma_semaphore, #tpu.memory_space<semaphore_mem>>) {add = true}
      %add3A_93 = arith.constant 2 : i32
      %add3A_94 = arith.addi %mul3A_64, %add3A_93 : i32
      %min3A = arith.constant 39 : i32
      %min3A_95 = arith.minsi %add3A_94, %min3A : i32
      %add3A_96 = arith.constant 3 : i32
      %add3A_97 = arith.addi %mul3A_64, %add3A_96 : i32
      %min3A_98 = arith.constant 39 : i32
      %min3A_99 = arith.minsi %add3A_97, %min3A_98 : i32
      %dma_wait3A_100 = arith.constant 0 : i32
      %dma_wait3A_101 = arith.constant 0 : i32
      %dma_wait3A_102 = tpu.memref_slice %arg8[%dma_wait3A_100, %dma_wait3A_101] : memref<40x128xi32, #tpu.memory_space<vmem>> -> memref<1x128xi32, #tpu.memory_space<vmem>>
      %dma_wait3A_103 = tpu.memref_squeeze %dma_wait3A_102 : memref<1x128xi32, #tpu.memory_space<vmem>> -> memref<128xi32, #tpu.memory_space<vmem>>
      %dma_wait3A_104 = arith.constant 0 : i32
      %dma_wait3A_105 = arith.constant 0 : i32
      %dma_wait3A_106 = tpu.memref_slice %arg11[%dma_wait3A_104, %dma_wait3A_105] : memref<10240x128xf32, #tpu.memory_space<vmem_shared>> -> memref<10240x128xf32, #tpu.memory_space<vmem_shared>>
      tpu.wait_indirect_dma semaphore(%arg14 : memref<!tpu.dma_semaphore, #tpu.memory_space<semaphore_mem>>) src(%arg9 : memref<128x128xf32, #tpu.memory_space<vmem>>) dst(%dma_wait3A_106 : memref<10240x128xf32, #tpu.memory_space<vmem_shared>>)
      %dma_start3A_107 = arith.constant 0 : i32
      %dma_start3A_108 = tpu.memref_slice %arg7[%min3A_95, %dma_start3A_107] : memref<40x128xi32, #tpu.memory_space<vmem>> -> memref<1x128xi32, #tpu.memory_space<vmem>>
      %dma_start3A_109 = tpu.memref_squeeze %dma_start3A_108 : memref<1x128xi32, #tpu.memory_space<vmem>> -> memref<128xi32, #tpu.memory_space<vmem>>
      %dma_start3A_110 = arith.constant 0 : i32
      %dma_start3A_111 = arith.constant 0 : i32
      %dma_start3A_112 = tpu.memref_slice %arg2[%dma_start3A_110, %dma_start3A_111] : memref<80000x128xf32, #tpu.memory_space<hbm>> -> memref<80000x128xf32, #tpu.memory_space<hbm>>
      tpu.enqueue_indirect_dma source(%dma_start3A_112 : memref<80000x128xf32, #tpu.memory_space<hbm>>) target(%arg9 : memref<128x128xf32, #tpu.memory_space<vmem>>) offsets(%dma_start3A_109 : memref<128xi32, #tpu.memory_space<vmem>>) semaphore(%arg12 : memref<!tpu.dma_semaphore, #tpu.memory_space<semaphore_mem>>)
      %dma_wait3A_113 = arith.constant 0 : i32
      %dma_wait3A_114 = arith.constant 0 : i32
      %dma_wait3A_115 = tpu.memref_slice %arg8[%dma_wait3A_113, %dma_wait3A_114] : memref<40x128xi32, #tpu.memory_space<vmem>> -> memref<1x128xi32, #tpu.memory_space<vmem>>
      %dma_wait3A_116 = tpu.memref_squeeze %dma_wait3A_115 : memref<1x128xi32, #tpu.memory_space<vmem>> -> memref<128xi32, #tpu.memory_space<vmem>>
      %dma_wait3A_117 = arith.constant 0 : i32
      %dma_wait3A_118 = arith.constant 0 : i32
      %dma_wait3A_119 = tpu.memref_slice %arg11[%dma_wait3A_117, %dma_wait3A_118] : memref<10240x128xf32, #tpu.memory_space<vmem_shared>> -> memref<10240x128xf32, #tpu.memory_space<vmem_shared>>
      tpu.wait_indirect_dma semaphore(%arg15 : memref<!tpu.dma_semaphore, #tpu.memory_space<semaphore_mem>>) src(%arg10 : memref<128x128xf32, #tpu.memory_space<vmem>>) dst(%dma_wait3A_119 : memref<10240x128xf32, #tpu.memory_space<vmem_shared>>)
      %dma_start3A_120 = arith.constant 0 : i32
      %dma_start3A_121 = tpu.memref_slice %arg7[%min3A_99, %dma_start3A_120] : memref<40x128xi32, #tpu.memory_space<vmem>> -> memref<1x128xi32, #tpu.memory_space<vmem>>
      %dma_start3A_122 = tpu.memref_squeeze %dma_start3A_121 : memref<1x128xi32, #tpu.memory_space<vmem>> -> memref<128xi32, #tpu.memory_space<vmem>>
      %dma_start3A_123 = arith.constant 0 : i32
      %dma_start3A_124 = arith.constant 0 : i32
      %dma_start3A_125 = tpu.memref_slice %arg2[%dma_start3A_123, %dma_start3A_124] : memref<80000x128xf32, #tpu.memory_space<hbm>> -> memref<80000x128xf32, #tpu.memory_space<hbm>>
      tpu.enqueue_indirect_dma source(%dma_start3A_125 : memref<80000x128xf32, #tpu.memory_space<hbm>>) target(%arg10 : memref<128x128xf32, #tpu.memory_space<vmem>>) offsets(%dma_start3A_122 : memref<128xi32, #tpu.memory_space<vmem>>) semaphore(%arg13 : memref<!tpu.dma_semaphore, #tpu.memory_space<semaphore_mem>>)
    }
    %scan3A_41 = arith.constant 20 : i32
    %dma_wait3A_42 = arith.constant 0 : i32
    %dma_wait3A_43 = arith.constant 0 : i32
    %dma_wait3A_44 = tpu.memref_slice %arg7[%dma_wait3A_42, %dma_wait3A_43] : memref<40x128xi32, #tpu.memory_space<vmem>> -> memref<1x128xi32, #tpu.memory_space<vmem>>
    %dma_wait3A_45 = tpu.memref_squeeze %dma_wait3A_44 : memref<1x128xi32, #tpu.memory_space<vmem>> -> memref<128xi32, #tpu.memory_space<vmem>>
    %dma_wait3A_46 = arith.constant 0 : i32
    %dma_wait3A_47 = arith.constant 0 : i32
    %dma_wait3A_48 = tpu.memref_slice %arg2[%dma_wait3A_46, %dma_wait3A_47] : memref<80000x128xf32, #tpu.memory_space<hbm>> -> memref<80000x128xf32, #tpu.memory_space<hbm>>
    tpu.wait_indirect_dma semaphore(%arg12 : memref<!tpu.dma_semaphore, #tpu.memory_space<semaphore_mem>>) src(%dma_wait3A_48 : memref<80000x128xf32, #tpu.memory_space<hbm>>) dst(%arg9 : memref<128x128xf32, #tpu.memory_space<vmem>>)
    %dma_wait3A_49 = arith.constant 0 : i32
    %dma_wait3A_50 = arith.constant 0 : i32
    %dma_wait3A_51 = tpu.memref_slice %arg7[%dma_wait3A_49, %dma_wait3A_50] : memref<40x128xi32, #tpu.memory_space<vmem>> -> memref<1x128xi32, #tpu.memory_space<vmem>>
    %dma_wait3A_52 = tpu.memref_squeeze %dma_wait3A_51 : memref<1x128xi32, #tpu.memory_space<vmem>> -> memref<128xi32, #tpu.memory_space<vmem>>
    %dma_wait3A_53 = arith.constant 0 : i32
    %dma_wait3A_54 = arith.constant 0 : i32
    %dma_wait3A_55 = tpu.memref_slice %arg2[%dma_wait3A_53, %dma_wait3A_54] : memref<80000x128xf32, #tpu.memory_space<hbm>> -> memref<80000x128xf32, #tpu.memory_space<hbm>>
    tpu.wait_indirect_dma semaphore(%arg13 : memref<!tpu.dma_semaphore, #tpu.memory_space<semaphore_mem>>) src(%dma_wait3A_55 : memref<80000x128xf32, #tpu.memory_space<hbm>>) dst(%arg10 : memref<128x128xf32, #tpu.memory_space<vmem>>)
    %barrier3A_56 = arith.constant 0 : index
    tpu.barrier barrier_id(%barrier3A_56)
    %mul3A_57 = arith.constant 640 : i32
    %mul3A_58 = arith.muli %arg1, %mul3A_57 : i32
    %mul3A_59 = arith.constant 10240 : i32
    %mul3A_60 = arith.muli %arg0, %mul3A_59 : i32
    %add3A_61 = arith.addi %mul3A_60, %mul3A_58 : i32
    "tpu.region"() ({
      %run_scoped3A = tpu.sem_alloc : memref<!tpu.dma_semaphore, #tpu.memory_space<semaphore_mem>>
      %dma_start3A_62 = arith.constant 0 : i32
      %dma_start3A_63 = tpu.memref_slice %arg6[%add3A_61, %dma_start3A_62] : memref<20480x128xf32, #tpu.memory_space<hbm>> -> memref<640x128xf32, #tpu.memory_space<hbm>>
      %dma_start3A_64 = arith.constant 0 : i32
      %dma_start3A_65 = tpu.memref_slice %arg11[%mul3A_58, %dma_start3A_64] : memref<10240x128xf32, #tpu.memory_space<vmem_shared>> -> memref<640x128xf32, #tpu.memory_space<vmem_shared>>
      tpu.enqueue_dma source(%dma_start3A_65 : memref<640x128xf32, #tpu.memory_space<vmem_shared>>) target(%dma_start3A_63 : memref<640x128xf32, #tpu.memory_space<hbm>>) target_semaphore(%run_scoped3A : memref<!tpu.dma_semaphore, #tpu.memory_space<semaphore_mem>>)
      %dma_wait3A_66 = arith.constant 0 : i32
      %dma_wait3A_67 = tpu.memref_slice %arg6[%add3A_61, %dma_wait3A_66] : memref<20480x128xf32, #tpu.memory_space<hbm>> -> memref<640x128xf32, #tpu.memory_space<hbm>>
      %dma_wait3A_68 = arith.constant 0 : i32
      %dma_wait3A_69 = tpu.memref_slice %arg11[%mul3A_58, %dma_wait3A_68] : memref<10240x128xf32, #tpu.memory_space<vmem_shared>> -> memref<640x128xf32, #tpu.memory_space<vmem_shared>>
      tpu.wait_dma2 semaphore(%run_scoped3A : memref<!tpu.dma_semaphore, #tpu.memory_space<semaphore_mem>>) src(%dma_wait3A_69 : memref<640x128xf32, #tpu.memory_space<vmem_shared>>) dst(%dma_wait3A_67 : memref<640x128xf32, #tpu.memory_space<hbm>>)
      tpu.yield
    }) : () -> ()
    return
  }
}

module attributes {stable_mosaic.version = 14 : i64} {
  func.func @_fin_body(%arg0: i32, %arg1: memref<1000x128xf32, #tpu.memory_space<vmem>>, %arg2: memref<1x1000x128xf32, #tpu.memory_space<vmem>>, %arg3: memref<1x1000x128xf32, #tpu.memory_space<vmem>>, %arg4: memref<1x128xf32, #tpu.memory_space<vmem>>, %arg5: memref<1000x128xf32, #tpu.memory_space<vmem>>) attributes {dimension_semantics = [#tpu.dimension_semantics<arbitrary>], iteration_bounds = array<i64: 10>, scalar_prefetch = 0 : i64, scratch_operands = 0 : i64, tpu.core_type = #tpu.core_type<tc>, window_params = [{transform_indices = @transform_0, window_bounds = array<i64: 1000, 128>}, {transform_indices = @transform_1, window_bounds = array<i64: 1, 1000, 128>}, {transform_indices = @transform_2, window_bounds = array<i64: 1, 1000, 128>}, {pipeline_mode = #tpu.pipeline_mode<synchronous>, transform_indices = @transform_3, window_bounds = array<i64: 1, 128>}, {transform_indices = @transform_4, window_bounds = array<i64: 1000, 128>}]} {
    %get3A = arith.constant 0 : index
    %get3A_0 = arith.constant 0 : index
    %get3A_1 = vector.load %arg1[%get3A, %get3A_0] : memref<1000x128xf32, #tpu.memory_space<vmem>>, vector<1000x128xf32>
    %get3A_2 = arith.constant 0 : index
    %get3A_3 = arith.constant 0 : index
    %get3A_4 = arith.constant 0 : index
    %get3A_5 = vector.load %arg2[%get3A_2, %get3A_3, %get3A_4] : memref<1x1000x128xf32, #tpu.memory_space<vmem>>, vector<1x1000x128xf32>
    %get3A_6 = vector.shape_cast %get3A_5 : vector<1x1000x128xf32> to vector<1000x128xf32>
    %add3A = arith.addf %get3A_1, %get3A_6 : vector<1000x128xf32>
    %get3A_7 = arith.constant 0 : index
    %get3A_8 = arith.constant 0 : index
    %get3A_9 = arith.constant 0 : index
    %get3A_10 = vector.load %arg3[%get3A_7, %get3A_8, %get3A_9] : memref<1x1000x128xf32, #tpu.memory_space<vmem>>, vector<1x1000x128xf32>
    %get3A_11 = vector.shape_cast %get3A_10 : vector<1x1000x128xf32> to vector<1000x128xf32>
    %add3A_12 = arith.addf %add3A, %get3A_11 : vector<1000x128xf32>
    %get3A_13 = arith.constant 0 : index
    %get3A_14 = arith.constant 0 : index
    %get3A_15 = vector.load %arg4[%get3A_13, %get3A_14] : memref<1x128xf32, #tpu.memory_space<vmem>>, vector<1x128xf32>
    %add3A_16 = vector.broadcast %get3A_15 : vector<1x128xf32> to vector<1000x128xf32>
    %add3A_17 = arith.addf %add3A_12, %add3A_16 : vector<1000x128xf32>
    %max3A = arith.constant 0.000000e+00 : f32
    %max3A_18 = vector.broadcast %max3A : f32 to vector<1000x128xf32>
    %max3A_19 = arith.maximumf %add3A_17, %max3A_18 : vector<1000x128xf32>
    %swap3A = arith.constant 0 : index
    %swap3A_20 = arith.constant 0 : index
    %swap3A_21 = vector.load %arg5[%swap3A, %swap3A_20] : memref<1000x128xf32, #tpu.memory_space<vmem>>, vector<1000x128xf32>
    tpu.vector_store %arg5[%swap3A, %swap3A_20], %max3A_19 {strides = array<i32>} : memref<1000x128xf32, #tpu.memory_space<vmem>>, vector<1000x128xf32>,
    return
  }
  func.func @transform_0(%arg0: i32) -> (i32, i32) {
    %c0_i32 = arith.constant 0 : i32
    %c0_i32_0 = arith.constant 0 : i32
    return %arg0, %c0_i32 : i32, i32
  }
  func.func @transform_1(%arg0: i32) -> (i32, i32, i32) {
    %c0_i32 = arith.constant 0 : i32
    %c0_i32_0 = arith.constant 0 : i32
    %c0_i32_1 = arith.constant 0 : i32
    return %c0_i32, %arg0, %c0_i32_0 : i32, i32, i32
  }
  func.func @transform_2(%arg0: i32) -> (i32, i32, i32) {
    %c1_i32 = arith.constant 1 : i32
    %c0_i32 = arith.constant 0 : i32
    %c0_i32_0 = arith.constant 0 : i32
    return %c1_i32, %arg0, %c0_i32 : i32, i32, i32
  }
  func.func @transform_3(%arg0: i32) -> (i32, i32) {
    %c0_i32 = arith.constant 0 : i32
    %c0_i32_0 = arith.constant 0 : i32
    %c0_i32_1 = arith.constant 0 : i32
    return %c0_i32, %c0_i32_0 : i32, i32
  }
  func.func @transform_4(%arg0: i32) -> (i32, i32) {
    %c0_i32 = arith.constant 0 : i32
    %c0_i32_0 = arith.constant 0 : i32
    return %arg0, %c0_i32 : i32, i32
  }
}

module attributes {stable_mosaic.version = 14 : i64} {
  func.func @_mm_body(%arg0: i32, %arg1: memref<8x4xf32, #tpu.memory_space<smem>>, %arg2: memref<4x128x128xf32, #tpu.memory_space<vmem>>, %arg3: memref<1000x128xf32, #tpu.memory_space<vmem>>, %arg4: memref<128x128xf32, #tpu.memory_space<vmem>>, %arg5: memref<2x16000xi32, #tpu.memory_space<vmem>>, %arg6: memref<160000xi32, #tpu.memory_space<vmem>>, %arg7: memref<8x1000x128xf32, #tpu.memory_space<vmem>>, %arg8: memref<1000x128xf32, #tpu.memory_space<vmem>>, %arg9: memref<128x128xi32, #tpu.memory_space<vmem>>, %arg10: memref<128x128xi32, #tpu.memory_space<vmem>>, %arg11: memref<128x1024xf32, #tpu.memory_space<vmem>>) attributes {dimension_semantics = [#tpu.dimension_semantics<arbitrary>], iteration_bounds = array<i64: 10>, scalar_prefetch = 0 : i64, scratch_operands = 1 : i64, tpu.core_type = #tpu.core_type<tc>, window_params = [{transform_indices = @transform_0, window_bounds = array<i64: 8, 4>}, {pipeline_mode = #tpu.pipeline_mode<synchronous>, transform_indices = @transform_1, window_bounds = array<i64: 4, 128, 128>}, {transform_indices = @transform_2, window_bounds = array<i64: 1000, 128>}, {pipeline_mode = #tpu.pipeline_mode<synchronous>, transform_indices = @transform_3, window_bounds = array<i64: 128, 128>}, {transform_indices = @transform_4, window_bounds = array<i64: 2, 16000>}, {pipeline_mode = #tpu.pipeline_mode<synchronous>, transform_indices = @transform_5, window_bounds = array<i64: 160000>}, {transform_indices = @transform_6, window_bounds = array<i64: 8, 1000, 128>}, {transform_indices = @transform_7, window_bounds = array<i64: 1000, 128>}, {transform_indices = @transform_8, window_bounds = array<i64: 128, 128>}, {transform_indices = @transform_9, window_bounds = array<i64: 128, 128>}]} {
    %eq3A = arith.constant 0 : i32
    %eq3A_0 = arith.cmpi eq, %arg0, %eq3A : i32
    %convert_element_type3A = arith.extui %eq3A_0 : i1 to i32
    %cond3A = arith.constant 0 : i32
    %cond3A_1 = arith.cmpi ne, %convert_element_type3A, %cond3A : i32
    scf.if %cond3A_1 {
      %get3A_119 = arith.constant 0 : index
      %get3A_120 = arith.constant 0 : index
      %get3A_121 = memref.load %arg1[%get3A_119, %get3A_120] : memref<8x4xf32, #tpu.memory_space<smem>>
      %get3A_122 = arith.constant 0 : index
      %get3A_123 = arith.constant 0 : index
      %get3A_124 = arith.constant 0 : index
      %get3A_125 = vector.load %arg2[%get3A_122, %get3A_123, %get3A_124] : memref<4x128x128xf32, #tpu.memory_space<vmem>>, vector<1x128x128xf32>
      %get3A_126 = vector.shape_cast %get3A_125 : vector<1x128x128xf32> to vector<128x128xf32>
      %mul3A_127 = vector.broadcast %get3A_121 : f32 to vector<128x128xf32>
      %mul3A_128 = arith.mulf %mul3A_127, %get3A_126 : vector<128x128xf32>
      %get3A_129 = arith.constant 0 : index
      %get3A_130 = arith.constant 1 : index
      %get3A_131 = memref.load %arg1[%get3A_129, %get3A_130] : memref<8x4xf32, #tpu.memory_space<smem>>
      %get3A_132 = arith.constant 1 : index
      %get3A_133 = arith.constant 0 : index
      %get3A_134 = arith.constant 0 : index
      %get3A_135 = vector.load %arg2[%get3A_132, %get3A_133, %get3A_134] : memref<4x128x128xf32, #tpu.memory_space<vmem>>, vector<1x128x128xf32>
      %get3A_136 = vector.shape_cast %get3A_135 : vector<1x128x128xf32> to vector<128x128xf32>
      %mul3A_137 = vector.broadcast %get3A_131 : f32 to vector<128x128xf32>
      %mul3A_138 = arith.mulf %mul3A_137, %get3A_136 : vector<128x128xf32>
      %add3A_139 = arith.addf %mul3A_128, %mul3A_138 : vector<128x128xf32>
      %get3A_140 = arith.constant 0 : index
      %get3A_141 = arith.constant 2 : index
      %get3A_142 = memref.load %arg1[%get3A_140, %get3A_141] : memref<8x4xf32, #tpu.memory_space<smem>>
      %get3A_143 = arith.constant 2 : index
      %get3A_144 = arith.constant 0 : index
      %get3A_145 = arith.constant 0 : index
      %get3A_146 = vector.load %arg2[%get3A_143, %get3A_144, %get3A_145] : memref<4x128x128xf32, #tpu.memory_space<vmem>>, vector<1x128x128xf32>
      %get3A_147 = vector.shape_cast %get3A_146 : vector<1x128x128xf32> to vector<128x128xf32>
      %mul3A_148 = vector.broadcast %get3A_142 : f32 to vector<128x128xf32>
      %mul3A_149 = arith.mulf %mul3A_148, %get3A_147 : vector<128x128xf32>
      %add3A_150 = arith.addf %add3A_139, %mul3A_149 : vector<128x128xf32>
      %get3A_151 = arith.constant 0 : index
      %get3A_152 = arith.constant 3 : index
      %get3A_153 = memref.load %arg1[%get3A_151, %get3A_152] : memref<8x4xf32, #tpu.memory_space<smem>>
      %get3A_154 = arith.constant 3 : index
      %get3A_155 = arith.constant 0 : index
      %get3A_156 = arith.constant 0 : index
      %get3A_157 = vector.load %arg2[%get3A_154, %get3A_155, %get3A_156] : memref<4x128x128xf32, #tpu.memory_space<vmem>>, vector<1x128x128xf32>
      %get3A_158 = vector.shape_cast %get3A_157 : vector<1x128x128xf32> to vector<128x128xf32>
      %mul3A_159 = vector.broadcast %get3A_153 : f32 to vector<128x128xf32>
      %mul3A_160 = arith.mulf %mul3A_159, %get3A_158 : vector<128x128xf32>
      %add3A_161 = arith.addf %add3A_150, %mul3A_160 : vector<128x128xf32>
      %swap3A_162 = arith.constant 0 : index
      %swap3A_163 = arith.constant 0 : index
      %swap3A_164 = vector.load %arg11[%swap3A_162, %swap3A_163] : memref<128x1024xf32, #tpu.memory_space<vmem>>, vector<128x128xf32>
      tpu.vector_store %arg11[%swap3A_162, %swap3A_163], %add3A_161 {strides = array<i32>} : memref<128x1024xf32, #tpu.memory_space<vmem>>, vector<128x128xf32>,
      %get3A_165 = arith.constant 1 : index
      %get3A_166 = arith.constant 0 : index
      %get3A_167 = memref.load %arg1[%get3A_165, %get3A_166] : memref<8x4xf32, #tpu.memory_space<smem>>
      %get3A_168 = arith.constant 0 : index
      %get3A_169 = arith.constant 0 : index
      %get3A_170 = arith.constant 0 : index
      %get3A_171 = vector.load %arg2[%get3A_168, %get3A_169, %get3A_170] : memref<4x128x128xf32, #tpu.memory_space<vmem>>, vector<1x128x128xf32>
      %get3A_172 = vector.shape_cast %get3A_171 : vector<1x128x128xf32> to vector<128x128xf32>
      %mul3A_173 = vector.broadcast %get3A_167 : f32 to vector<128x128xf32>
      %mul3A_174 = arith.mulf %mul3A_173, %get3A_172 : vector<128x128xf32>
      %get3A_175 = arith.constant 1 : index
      %get3A_176 = arith.constant 1 : index
      %get3A_177 = memref.load %arg1[%get3A_175, %get3A_176] : memref<8x4xf32, #tpu.memory_space<smem>>
      %get3A_178 = arith.constant 1 : index
      %get3A_179 = arith.constant 0 : index
      %get3A_180 = arith.constant 0 : index
      %get3A_181 = vector.load %arg2[%get3A_178, %get3A_179, %get3A_180] : memref<4x128x128xf32, #tpu.memory_space<vmem>>, vector<1x128x128xf32>
      %get3A_182 = vector.shape_cast %get3A_181 : vector<1x128x128xf32> to vector<128x128xf32>
      %mul3A_183 = vector.broadcast %get3A_177 : f32 to vector<128x128xf32>
      %mul3A_184 = arith.mulf %mul3A_183, %get3A_182 : vector<128x128xf32>
      %add3A_185 = arith.addf %mul3A_174, %mul3A_184 : vector<128x128xf32>
      %get3A_186 = arith.constant 1 : index
      %get3A_187 = arith.constant 2 : index
      %get3A_188 = memref.load %arg1[%get3A_186, %get3A_187] : memref<8x4xf32, #tpu.memory_space<smem>>
      %get3A_189 = arith.constant 2 : index
      %get3A_190 = arith.constant 0 : index
      %get3A_191 = arith.constant 0 : index
      %get3A_192 = vector.load %arg2[%get3A_189, %get3A_190, %get3A_191] : memref<4x128x128xf32, #tpu.memory_space<vmem>>, vector<1x128x128xf32>
      %get3A_193 = vector.shape_cast %get3A_192 : vector<1x128x128xf32> to vector<128x128xf32>
      %mul3A_194 = vector.broadcast %get3A_188 : f32 to vector<128x128xf32>
      %mul3A_195 = arith.mulf %mul3A_194, %get3A_193 : vector<128x128xf32>
      %add3A_196 = arith.addf %add3A_185, %mul3A_195 : vector<128x128xf32>
      %get3A_197 = arith.constant 1 : index
      %get3A_198 = arith.constant 3 : index
      %get3A_199 = memref.load %arg1[%get3A_197, %get3A_198] : memref<8x4xf32, #tpu.memory_space<smem>>
      %get3A_200 = arith.constant 3 : index
      %get3A_201 = arith.constant 0 : index
      %get3A_202 = arith.constant 0 : index
      %get3A_203 = vector.load %arg2[%get3A_200, %get3A_201, %get3A_202] : memref<4x128x128xf32, #tpu.memory_space<vmem>>, vector<1x128x128xf32>
      %get3A_204 = vector.shape_cast %get3A_203 : vector<1x128x128xf32> to vector<128x128xf32>
      %mul3A_205 = vector.broadcast %get3A_199 : f32 to vector<128x128xf32>
      %mul3A_206 = arith.mulf %mul3A_205, %get3A_204 : vector<128x128xf32>
      %add3A_207 = arith.addf %add3A_196, %mul3A_206 : vector<128x128xf32>
      %swap3A_208 = arith.constant 0 : index
      %swap3A_209 = arith.constant 128 : index
      %swap3A_210 = vector.load %arg11[%swap3A_208, %swap3A_209] : memref<128x1024xf32, #tpu.memory_space<vmem>>, vector<128x128xf32>
      tpu.vector_store %arg11[%swap3A_208, %swap3A_209], %add3A_207 {strides = array<i32>} : memref<128x1024xf32, #tpu.memory_space<vmem>>, vector<128x128xf32>,
      %get3A_211 = arith.constant 2 : index
      %get3A_212 = arith.constant 0 : index
      %get3A_213 = memref.load %arg1[%get3A_211, %get3A_212] : memref<8x4xf32, #tpu.memory_space<smem>>
      %get3A_214 = arith.constant 0 : index
      %get3A_215 = arith.constant 0 : index
      %get3A_216 = arith.constant 0 : index
      %get3A_217 = vector.load %arg2[%get3A_214, %get3A_215, %get3A_216] : memref<4x128x128xf32, #tpu.memory_space<vmem>>, vector<1x128x128xf32>
      %get3A_218 = vector.shape_cast %get3A_217 : vector<1x128x128xf32> to vector<128x128xf32>
      %mul3A_219 = vector.broadcast %get3A_213 : f32 to vector<128x128xf32>
      %mul3A_220 = arith.mulf %mul3A_219, %get3A_218 : vector<128x128xf32>
      %get3A_221 = arith.constant 2 : index
      %get3A_222 = arith.constant 1 : index
      %get3A_223 = memref.load %arg1[%get3A_221, %get3A_222] : memref<8x4xf32, #tpu.memory_space<smem>>
      %get3A_224 = arith.constant 1 : index
      %get3A_225 = arith.constant 0 : index
      %get3A_226 = arith.constant 0 : index
      %get3A_227 = vector.load %arg2[%get3A_224, %get3A_225, %get3A_226] : memref<4x128x128xf32, #tpu.memory_space<vmem>>, vector<1x128x128xf32>
      %get3A_228 = vector.shape_cast %get3A_227 : vector<1x128x128xf32> to vector<128x128xf32>
      %mul3A_229 = vector.broadcast %get3A_223 : f32 to vector<128x128xf32>
      %mul3A_230 = arith.mulf %mul3A_229, %get3A_228 : vector<128x128xf32>
      %add3A_231 = arith.addf %mul3A_220, %mul3A_230 : vector<128x128xf32>
      %get3A_232 = arith.constant 2 : index
      %get3A_233 = arith.constant 2 : index
      %get3A_234 = memref.load %arg1[%get3A_232, %get3A_233] : memref<8x4xf32, #tpu.memory_space<smem>>
      %get3A_235 = arith.constant 2 : index
      %get3A_236 = arith.constant 0 : index
      %get3A_237 = arith.constant 0 : index
      %get3A_238 = vector.load %arg2[%get3A_235, %get3A_236, %get3A_237] : memref<4x128x128xf32, #tpu.memory_space<vmem>>, vector<1x128x128xf32>
      %get3A_239 = vector.shape_cast %get3A_238 : vector<1x128x128xf32> to vector<128x128xf32>
      %mul3A_240 = vector.broadcast %get3A_234 : f32 to vector<128x128xf32>
      %mul3A_241 = arith.mulf %mul3A_240, %get3A_239 : vector<128x128xf32>
      %add3A_242 = arith.addf %add3A_231, %mul3A_241 : vector<128x128xf32>
      %get3A_243 = arith.constant 2 : index
      %get3A_244 = arith.constant 3 : index
      %get3A_245 = memref.load %arg1[%get3A_243, %get3A_244] : memref<8x4xf32, #tpu.memory_space<smem>>
      %get3A_246 = arith.constant 3 : index
      %get3A_247 = arith.constant 0 : index
      %get3A_248 = arith.constant 0 : index
      %get3A_249 = vector.load %arg2[%get3A_246, %get3A_247, %get3A_248] : memref<4x128x128xf32, #tpu.memory_space<vmem>>, vector<1x128x128xf32>
      %get3A_250 = vector.shape_cast %get3A_249 : vector<1x128x128xf32> to vector<128x128xf32>
      %mul3A_251 = vector.broadcast %get3A_245 : f32 to vector<128x128xf32>
      %mul3A_252 = arith.mulf %mul3A_251, %get3A_250 : vector<128x128xf32>
      %add3A_253 = arith.addf %add3A_242, %mul3A_252 : vector<128x128xf32>
      %swap3A_254 = arith.constant 0 : index
      %swap3A_255 = arith.constant 256 : index
      %swap3A_256 = vector.load %arg11[%swap3A_254, %swap3A_255] : memref<128x1024xf32, #tpu.memory_space<vmem>>, vector<128x128xf32>
      tpu.vector_store %arg11[%swap3A_254, %swap3A_255], %add3A_253 {strides = array<i32>} : memref<128x1024xf32, #tpu.memory_space<vmem>>, vector<128x128xf32>,
      %get3A_257 = arith.constant 3 : index
      %get3A_258 = arith.constant 0 : index
      %get3A_259 = memref.load %arg1[%get3A_257, %get3A_258] : memref<8x4xf32, #tpu.memory_space<smem>>
      %get3A_260 = arith.constant 0 : index
      %get3A_261 = arith.constant 0 : index
      %get3A_262 = arith.constant 0 : index
      %get3A_263 = vector.load %arg2[%get3A_260, %get3A_261, %get3A_262] : memref<4x128x128xf32, #tpu.memory_space<vmem>>, vector<1x128x128xf32>
      %get3A_264 = vector.shape_cast %get3A_263 : vector<1x128x128xf32> to vector<128x128xf32>
      %mul3A_265 = vector.broadcast %get3A_259 : f32 to vector<128x128xf32>
      %mul3A_266 = arith.mulf %mul3A_265, %get3A_264 : vector<128x128xf32>
      %get3A_267 = arith.constant 3 : index
      %get3A_268 = arith.constant 1 : index
      %get3A_269 = memref.load %arg1[%get3A_267, %get3A_268] : memref<8x4xf32, #tpu.memory_space<smem>>
      %get3A_270 = arith.constant 1 : index
      %get3A_271 = arith.constant 0 : index
      %get3A_272 = arith.constant 0 : index
      %get3A_273 = vector.load %arg2[%get3A_270, %get3A_271, %get3A_272] : memref<4x128x128xf32, #tpu.memory_space<vmem>>, vector<1x128x128xf32>
      %get3A_274 = vector.shape_cast %get3A_273 : vector<1x128x128xf32> to vector<128x128xf32>
      %mul3A_275 = vector.broadcast %get3A_269 : f32 to vector<128x128xf32>
      %mul3A_276 = arith.mulf %mul3A_275, %get3A_274 : vector<128x128xf32>
      %add3A_277 = arith.addf %mul3A_266, %mul3A_276 : vector<128x128xf32>
      %get3A_278 = arith.constant 3 : index
      %get3A_279 = arith.constant 2 : index
      %get3A_280 = memref.load %arg1[%get3A_278, %get3A_279] : memref<8x4xf32, #tpu.memory_space<smem>>
      %get3A_281 = arith.constant 2 : index
      %get3A_282 = arith.constant 0 : index
      %get3A_283 = arith.constant 0 : index
      %get3A_284 = vector.load %arg2[%get3A_281, %get3A_282, %get3A_283] : memref<4x128x128xf32, #tpu.memory_space<vmem>>, vector<1x128x128xf32>
      %get3A_285 = vector.shape_cast %get3A_284 : vector<1x128x128xf32> to vector<128x128xf32>
      %mul3A_286 = vector.broadcast %get3A_280 : f32 to vector<128x128xf32>
      %mul3A_287 = arith.mulf %mul3A_286, %get3A_285 : vector<128x128xf32>
      %add3A_288 = arith.addf %add3A_277, %mul3A_287 : vector<128x128xf32>
      %get3A_289 = arith.constant 3 : index
      %get3A_290 = arith.constant 3 : index
      %get3A_291 = memref.load %arg1[%get3A_289, %get3A_290] : memref<8x4xf32, #tpu.memory_space<smem>>
      %get3A_292 = arith.constant 3 : index
      %get3A_293 = arith.constant 0 : index
      %get3A_294 = arith.constant 0 : index
      %get3A_295 = vector.load %arg2[%get3A_292, %get3A_293, %get3A_294] : memref<4x128x128xf32, #tpu.memory_space<vmem>>, vector<1x128x128xf32>
      %get3A_296 = vector.shape_cast %get3A_295 : vector<1x128x128xf32> to vector<128x128xf32>
      %mul3A_297 = vector.broadcast %get3A_291 : f32 to vector<128x128xf32>
      %mul3A_298 = arith.mulf %mul3A_297, %get3A_296 : vector<128x128xf32>
      %add3A_299 = arith.addf %add3A_288, %mul3A_298 : vector<128x128xf32>
      %swap3A_300 = arith.constant 0 : index
      %swap3A_301 = arith.constant 384 : index
      %swap3A_302 = vector.load %arg11[%swap3A_300, %swap3A_301] : memref<128x1024xf32, #tpu.memory_space<vmem>>, vector<128x128xf32>
      tpu.vector_store %arg11[%swap3A_300, %swap3A_301], %add3A_299 {strides = array<i32>} : memref<128x1024xf32, #tpu.memory_space<vmem>>, vector<128x128xf32>,
      %get3A_303 = arith.constant 4 : index
      %get3A_304 = arith.constant 0 : index
      %get3A_305 = memref.load %arg1[%get3A_303, %get3A_304] : memref<8x4xf32, #tpu.memory_space<smem>>
      %get3A_306 = arith.constant 0 : index
      %get3A_307 = arith.constant 0 : index
      %get3A_308 = arith.constant 0 : index
      %get3A_309 = vector.load %arg2[%get3A_306, %get3A_307, %get3A_308] : memref<4x128x128xf32, #tpu.memory_space<vmem>>, vector<1x128x128xf32>
      %get3A_310 = vector.shape_cast %get3A_309 : vector<1x128x128xf32> to vector<128x128xf32>
      %mul3A_311 = vector.broadcast %get3A_305 : f32 to vector<128x128xf32>
      %mul3A_312 = arith.mulf %mul3A_311, %get3A_310 : vector<128x128xf32>
      %get3A_313 = arith.constant 4 : index
      %get3A_314 = arith.constant 1 : index
      %get3A_315 = memref.load %arg1[%get3A_313, %get3A_314] : memref<8x4xf32, #tpu.memory_space<smem>>
      %get3A_316 = arith.constant 1 : index
      %get3A_317 = arith.constant 0 : index
      %get3A_318 = arith.constant 0 : index
      %get3A_319 = vector.load %arg2[%get3A_316, %get3A_317, %get3A_318] : memref<4x128x128xf32, #tpu.memory_space<vmem>>, vector<1x128x128xf32>
      %get3A_320 = vector.shape_cast %get3A_319 : vector<1x128x128xf32> to vector<128x128xf32>
      %mul3A_321 = vector.broadcast %get3A_315 : f32 to vector<128x128xf32>
      %mul3A_322 = arith.mulf %mul3A_321, %get3A_320 : vector<128x128xf32>
      %add3A_323 = arith.addf %mul3A_312, %mul3A_322 : vector<128x128xf32>
      %get3A_324 = arith.constant 4 : index
      %get3A_325 = arith.constant 2 : index
      %get3A_326 = memref.load %arg1[%get3A_324, %get3A_325] : memref<8x4xf32, #tpu.memory_space<smem>>
      %get3A_327 = arith.constant 2 : index
      %get3A_328 = arith.constant 0 : index
      %get3A_329 = arith.constant 0 : index
      %get3A_330 = vector.load %arg2[%get3A_327, %get3A_328, %get3A_329] : memref<4x128x128xf32, #tpu.memory_space<vmem>>, vector<1x128x128xf32>
      %get3A_331 = vector.shape_cast %get3A_330 : vector<1x128x128xf32> to vector<128x128xf32>
      %mul3A_332 = vector.broadcast %get3A_326 : f32 to vector<128x128xf32>
      %mul3A_333 = arith.mulf %mul3A_332, %get3A_331 : vector<128x128xf32>
      %add3A_334 = arith.addf %add3A_323, %mul3A_333 : vector<128x128xf32>
      %get3A_335 = arith.constant 4 : index
      %get3A_336 = arith.constant 3 : index
      %get3A_337 = memref.load %arg1[%get3A_335, %get3A_336] : memref<8x4xf32, #tpu.memory_space<smem>>
      %get3A_338 = arith.constant 3 : index
      %get3A_339 = arith.constant 0 : index
      %get3A_340 = arith.constant 0 : index
      %get3A_341 = vector.load %arg2[%get3A_338, %get3A_339, %get3A_340] : memref<4x128x128xf32, #tpu.memory_space<vmem>>, vector<1x128x128xf32>
      %get3A_342 = vector.shape_cast %get3A_341 : vector<1x128x128xf32> to vector<128x128xf32>
      %mul3A_343 = vector.broadcast %get3A_337 : f32 to vector<128x128xf32>
      %mul3A_344 = arith.mulf %mul3A_343, %get3A_342 : vector<128x128xf32>
      %add3A_345 = arith.addf %add3A_334, %mul3A_344 : vector<128x128xf32>
      %swap3A_346 = arith.constant 0 : index
      %swap3A_347 = arith.constant 512 : index
      %swap3A_348 = vector.load %arg11[%swap3A_346, %swap3A_347] : memref<128x1024xf32, #tpu.memory_space<vmem>>, vector<128x128xf32>
      tpu.vector_store %arg11[%swap3A_346, %swap3A_347], %add3A_345 {strides = array<i32>} : memref<128x1024xf32, #tpu.memory_space<vmem>>, vector<128x128xf32>,
      %get3A_349 = arith.constant 5 : index
      %get3A_350 = arith.constant 0 : index
      %get3A_351 = memref.load %arg1[%get3A_349, %get3A_350] : memref<8x4xf32, #tpu.memory_space<smem>>
      %get3A_352 = arith.constant 0 : index
      %get3A_353 = arith.constant 0 : index
      %get3A_354 = arith.constant 0 : index
      %get3A_355 = vector.load %arg2[%get3A_352, %get3A_353, %get3A_354] : memref<4x128x128xf32, #tpu.memory_space<vmem>>, vector<1x128x128xf32>
      %get3A_356 = vector.shape_cast %get3A_355 : vector<1x128x128xf32> to vector<128x128xf32>
      %mul3A_357 = vector.broadcast %get3A_351 : f32 to vector<128x128xf32>
      %mul3A_358 = arith.mulf %mul3A_357, %get3A_356 : vector<128x128xf32>
      %get3A_359 = arith.constant 5 : index
      %get3A_360 = arith.constant 1 : index
      %get3A_361 = memref.load %arg1[%get3A_359, %get3A_360] : memref<8x4xf32, #tpu.memory_space<smem>>
      %get3A_362 = arith.constant 1 : index
      %get3A_363 = arith.constant 0 : index
      %get3A_364 = arith.constant 0 : index
      %get3A_365 = vector.load %arg2[%get3A_362, %get3A_363, %get3A_364] : memref<4x128x128xf32, #tpu.memory_space<vmem>>, vector<1x128x128xf32>
      %get3A_366 = vector.shape_cast %get3A_365 : vector<1x128x128xf32> to vector<128x128xf32>
      %mul3A_367 = vector.broadcast %get3A_361 : f32 to vector<128x128xf32>
      %mul3A_368 = arith.mulf %mul3A_367, %get3A_366 : vector<128x128xf32>
      %add3A_369 = arith.addf %mul3A_358, %mul3A_368 : vector<128x128xf32>
      %get3A_370 = arith.constant 5 : index
      %get3A_371 = arith.constant 2 : index
      %get3A_372 = memref.load %arg1[%get3A_370, %get3A_371] : memref<8x4xf32, #tpu.memory_space<smem>>
      %get3A_373 = arith.constant 2 : index
      %get3A_374 = arith.constant 0 : index
      %get3A_375 = arith.constant 0 : index
      %get3A_376 = vector.load %arg2[%get3A_373, %get3A_374, %get3A_375] : memref<4x128x128xf32, #tpu.memory_space<vmem>>, vector<1x128x128xf32>
      %get3A_377 = vector.shape_cast %get3A_376 : vector<1x128x128xf32> to vector<128x128xf32>
      %mul3A_378 = vector.broadcast %get3A_372 : f32 to vector<128x128xf32>
      %mul3A_379 = arith.mulf %mul3A_378, %get3A_377 : vector<128x128xf32>
      %add3A_380 = arith.addf %add3A_369, %mul3A_379 : vector<128x128xf32>
      %get3A_381 = arith.constant 5 : index
      %get3A_382 = arith.constant 3 : index
      %get3A_383 = memref.load %arg1[%get3A_381, %get3A_382] : memref<8x4xf32, #tpu.memory_space<smem>>
      %get3A_384 = arith.constant 3 : index
      %get3A_385 = arith.constant 0 : index
      %get3A_386 = arith.constant 0 : index
      %get3A_387 = vector.load %arg2[%get3A_384, %get3A_385, %get3A_386] : memref<4x128x128xf32, #tpu.memory_space<vmem>>, vector<1x128x128xf32>
      %get3A_388 = vector.shape_cast %get3A_387 : vector<1x128x128xf32> to vector<128x128xf32>
      %mul3A_389 = vector.broadcast %get3A_383 : f32 to vector<128x128xf32>
      %mul3A_390 = arith.mulf %mul3A_389, %get3A_388 : vector<128x128xf32>
      %add3A_391 = arith.addf %add3A_380, %mul3A_390 : vector<128x128xf32>
      %swap3A_392 = arith.constant 0 : index
      %swap3A_393 = arith.constant 640 : index
      %swap3A_394 = vector.load %arg11[%swap3A_392, %swap3A_393] : memref<128x1024xf32, #tpu.memory_space<vmem>>, vector<128x128xf32>
      tpu.vector_store %arg11[%swap3A_392, %swap3A_393], %add3A_391 {strides = array<i32>} : memref<128x1024xf32, #tpu.memory_space<vmem>>, vector<128x128xf32>,
      %get3A_395 = arith.constant 6 : index
      %get3A_396 = arith.constant 0 : index
      %get3A_397 = memref.load %arg1[%get3A_395, %get3A_396] : memref<8x4xf32, #tpu.memory_space<smem>>
      %get3A_398 = arith.constant 0 : index
      %get3A_399 = arith.constant 0 : index
      %get3A_400 = arith.constant 0 : index
      %get3A_401 = vector.load %arg2[%get3A_398, %get3A_399, %get3A_400] : memref<4x128x128xf32, #tpu.memory_space<vmem>>, vector<1x128x128xf32>
      %get3A_402 = vector.shape_cast %get3A_401 : vector<1x128x128xf32> to vector<128x128xf32>
      %mul3A_403 = vector.broadcast %get3A_397 : f32 to vector<128x128xf32>
      %mul3A_404 = arith.mulf %mul3A_403, %get3A_402 : vector<128x128xf32>
      %get3A_405 = arith.constant 6 : index
      %get3A_406 = arith.constant 1 : index
      %get3A_407 = memref.load %arg1[%get3A_405, %get3A_406] : memref<8x4xf32, #tpu.memory_space<smem>>
      %get3A_408 = arith.constant 1 : index
      %get3A_409 = arith.constant 0 : index
      %get3A_410 = arith.constant 0 : index
      %get3A_411 = vector.load %arg2[%get3A_408, %get3A_409, %get3A_410] : memref<4x128x128xf32, #tpu.memory_space<vmem>>, vector<1x128x128xf32>
      %get3A_412 = vector.shape_cast %get3A_411 : vector<1x128x128xf32> to vector<128x128xf32>
      %mul3A_413 = vector.broadcast %get3A_407 : f32 to vector<128x128xf32>
      %mul3A_414 = arith.mulf %mul3A_413, %get3A_412 : vector<128x128xf32>
      %add3A_415 = arith.addf %mul3A_404, %mul3A_414 : vector<128x128xf32>
      %get3A_416 = arith.constant 6 : index
      %get3A_417 = arith.constant 2 : index
      %get3A_418 = memref.load %arg1[%get3A_416, %get3A_417] : memref<8x4xf32, #tpu.memory_space<smem>>
      %get3A_419 = arith.constant 2 : index
      %get3A_420 = arith.constant 0 : index
      %get3A_421 = arith.constant 0 : index
      %get3A_422 = vector.load %arg2[%get3A_419, %get3A_420, %get3A_421] : memref<4x128x128xf32, #tpu.memory_space<vmem>>, vector<1x128x128xf32>
      %get3A_423 = vector.shape_cast %get3A_422 : vector<1x128x128xf32> to vector<128x128xf32>
      %mul3A_424 = vector.broadcast %get3A_418 : f32 to vector<128x128xf32>
      %mul3A_425 = arith.mulf %mul3A_424, %get3A_423 : vector<128x128xf32>
      %add3A_426 = arith.addf %add3A_415, %mul3A_425 : vector<128x128xf32>
      %get3A_427 = arith.constant 6 : index
      %get3A_428 = arith.constant 3 : index
      %get3A_429 = memref.load %arg1[%get3A_427, %get3A_428] : memref<8x4xf32, #tpu.memory_space<smem>>
      %get3A_430 = arith.constant 3 : index
      %get3A_431 = arith.constant 0 : index
      %get3A_432 = arith.constant 0 : index
      %get3A_433 = vector.load %arg2[%get3A_430, %get3A_431, %get3A_432] : memref<4x128x128xf32, #tpu.memory_space<vmem>>, vector<1x128x128xf32>
      %get3A_434 = vector.shape_cast %get3A_433 : vector<1x128x128xf32> to vector<128x128xf32>
      %mul3A_435 = vector.broadcast %get3A_429 : f32 to vector<128x128xf32>
      %mul3A_436 = arith.mulf %mul3A_435, %get3A_434 : vector<128x128xf32>
      %add3A_437 = arith.addf %add3A_426, %mul3A_436 : vector<128x128xf32>
      %swap3A_438 = arith.constant 0 : index
      %swap3A_439 = arith.constant 768 : index
      %swap3A_440 = vector.load %arg11[%swap3A_438, %swap3A_439] : memref<128x1024xf32, #tpu.memory_space<vmem>>, vector<128x128xf32>
      tpu.vector_store %arg11[%swap3A_438, %swap3A_439], %add3A_437 {strides = array<i32>} : memref<128x1024xf32, #tpu.memory_space<vmem>>, vector<128x128xf32>,
      %get3A_441 = arith.constant 7 : index
      %get3A_442 = arith.constant 0 : index
      %get3A_443 = memref.load %arg1[%get3A_441, %get3A_442] : memref<8x4xf32, #tpu.memory_space<smem>>
      %get3A_444 = arith.constant 0 : index
      %get3A_445 = arith.constant 0 : index
      %get3A_446 = arith.constant 0 : index
      %get3A_447 = vector.load %arg2[%get3A_444, %get3A_445, %get3A_446] : memref<4x128x128xf32, #tpu.memory_space<vmem>>, vector<1x128x128xf32>
      %get3A_448 = vector.shape_cast %get3A_447 : vector<1x128x128xf32> to vector<128x128xf32>
      %mul3A_449 = vector.broadcast %get3A_443 : f32 to vector<128x128xf32>
      %mul3A_450 = arith.mulf %mul3A_449, %get3A_448 : vector<128x128xf32>
      %get3A_451 = arith.constant 7 : index
      %get3A_452 = arith.constant 1 : index
      %get3A_453 = memref.load %arg1[%get3A_451, %get3A_452] : memref<8x4xf32, #tpu.memory_space<smem>>
      %get3A_454 = arith.constant 1 : index
      %get3A_455 = arith.constant 0 : index
      %get3A_456 = arith.constant 0 : index
      %get3A_457 = vector.load %arg2[%get3A_454, %get3A_455, %get3A_456] : memref<4x128x128xf32, #tpu.memory_space<vmem>>, vector<1x128x128xf32>
      %get3A_458 = vector.shape_cast %get3A_457 : vector<1x128x128xf32> to vector<128x128xf32>
      %mul3A_459 = vector.broadcast %get3A_453 : f32 to vector<128x128xf32>
      %mul3A_460 = arith.mulf %mul3A_459, %get3A_458 : vector<128x128xf32>
      %add3A_461 = arith.addf %mul3A_450, %mul3A_460 : vector<128x128xf32>
      %get3A_462 = arith.constant 7 : index
      %get3A_463 = arith.constant 2 : index
      %get3A_464 = memref.load %arg1[%get3A_462, %get3A_463] : memref<8x4xf32, #tpu.memory_space<smem>>
      %get3A_465 = arith.constant 2 : index
      %get3A_466 = arith.constant 0 : index
      %get3A_467 = arith.constant 0 : index
      %get3A_468 = vector.load %arg2[%get3A_465, %get3A_466, %get3A_467] : memref<4x128x128xf32, #tpu.memory_space<vmem>>, vector<1x128x128xf32>
      %get3A_469 = vector.shape_cast %get3A_468 : vector<1x128x128xf32> to vector<128x128xf32>
      %mul3A_470 = vector.broadcast %get3A_464 : f32 to vector<128x128xf32>
      %mul3A_471 = arith.mulf %mul3A_470, %get3A_469 : vector<128x128xf32>
      %add3A_472 = arith.addf %add3A_461, %mul3A_471 : vector<128x128xf32>
      %get3A_473 = arith.constant 7 : index
      %get3A_474 = arith.constant 3 : index
      %get3A_475 = memref.load %arg1[%get3A_473, %get3A_474] : memref<8x4xf32, #tpu.memory_space<smem>>
      %get3A_476 = arith.constant 3 : index
      %get3A_477 = arith.constant 0 : index
      %get3A_478 = arith.constant 0 : index
      %get3A_479 = vector.load %arg2[%get3A_476, %get3A_477, %get3A_478] : memref<4x128x128xf32, #tpu.memory_space<vmem>>, vector<1x128x128xf32>
      %get3A_480 = vector.shape_cast %get3A_479 : vector<1x128x128xf32> to vector<128x128xf32>
      %mul3A_481 = vector.broadcast %get3A_475 : f32 to vector<128x128xf32>
      %mul3A_482 = arith.mulf %mul3A_481, %get3A_480 : vector<128x128xf32>
      %add3A_483 = arith.addf %add3A_472, %mul3A_482 : vector<128x128xf32>
      %swap3A_484 = arith.constant 0 : index
      %swap3A_485 = arith.constant 896 : index
      %swap3A_486 = vector.load %arg11[%swap3A_484, %swap3A_485] : memref<128x1024xf32, #tpu.memory_space<vmem>>, vector<128x128xf32>
      tpu.vector_store %arg11[%swap3A_484, %swap3A_485], %add3A_483 {strides = array<i32>} : memref<128x1024xf32, #tpu.memory_space<vmem>>, vector<128x128xf32>,
    } else {
    }
    %get3A = arith.constant 0 : index
    %get3A_2 = arith.constant 0 : index
    %get3A_3 = vector.load %arg3[%get3A, %get3A_2] : memref<1000x128xf32, #tpu.memory_space<vmem>>, vector<1000x128xf32>
    %get3A_4 = arith.constant 0 : index
    %get3A_5 = arith.constant 0 : index
    %get3A_6 = vector.load %arg11[%get3A_4, %get3A_5] : memref<128x1024xf32, #tpu.memory_space<vmem>>, vector<128x1024xf32>
    %dot_general3A = arith.constant dense<0.000000e+00> : vector<1000x1024xf32>
    %dot_general3A_7 = tpu.matmul %get3A_3, %get3A_6, %dot_general3A {dimension_numbers = #tpu.dot_dimension_numbers<[1], [0], [0], [1], [0, 0, 1, 1], [], []>, transpose_lhs_hint = false} : vector<1000x128xf32>, vector<128x1024xf32>, vector<1000x1024xf32> -> vector<1000x1024xf32>
    %slice3A = vector.extract_strided_slice %dot_general3A_7 {offsets = [0, 0], sizes = [1000, 128], strides = [1, 1]} : vector<1000x1024xf32> to vector<1000x128xf32>
    %swap3A = arith.constant 0 : index
    %swap3A_8 = arith.constant 0 : index
    %swap3A_9 = arith.constant 0 : index
    %swap3A_10 = vector.load %arg7[%swap3A, %swap3A_8, %swap3A_9] : memref<8x1000x128xf32, #tpu.memory_space<vmem>>, vector<1x1000x128xf32>
    %swap3A_11 = vector.shape_cast %swap3A_10 : vector<1x1000x128xf32> to vector<1000x128xf32>
    %swap3A_12 = vector.shape_cast %slice3A : vector<1000x128xf32> to vector<1x1000x128xf32>
    tpu.vector_store %arg7[%swap3A, %swap3A_8, %swap3A_9], %swap3A_12 {strides = array<i32>} : memref<8x1000x128xf32, #tpu.memory_space<vmem>>, vector<1x1000x128xf32>,
    %slice3A_13 = vector.extract_strided_slice %dot_general3A_7 {offsets = [0, 128], sizes = [1000, 128], strides = [1, 1]} : vector<1000x1024xf32> to vector<1000x128xf32>
    %swap3A_14 = arith.constant 1 : index
    %swap3A_15 = arith.constant 0 : index
    %swap3A_16 = arith.constant 0 : index
    %swap3A_17 = vector.load %arg7[%swap3A_14, %swap3A_15, %swap3A_16] : memref<8x1000x128xf32, #tpu.memory_space<vmem>>, vector<1x1000x128xf32>
    %swap3A_18 = vector.shape_cast %swap3A_17 : vector<1x1000x128xf32> to vector<1000x128xf32>
    %swap3A_19 = vector.shape_cast %slice3A_13 : vector<1000x128xf32> to vector<1x1000x128xf32>
    tpu.vector_store %arg7[%swap3A_14, %swap3A_15, %swap3A_16], %swap3A_19 {strides = array<i32>} : memref<8x1000x128xf32, #tpu.memory_space<vmem>>, vector<1x1000x128xf32>,
    %slice3A_20 = vector.extract_strided_slice %dot_general3A_7 {offsets = [0, 256], sizes = [1000, 128], strides = [1, 1]} : vector<1000x1024xf32> to vector<1000x128xf32>
    %swap3A_21 = arith.constant 2 : index
    %swap3A_22 = arith.constant 0 : index
    %swap3A_23 = arith.constant 0 : index
    %swap3A_24 = vector.load %arg7[%swap3A_21, %swap3A_22, %swap3A_23] : memref<8x1000x128xf32, #tpu.memory_space<vmem>>, vector<1x1000x128xf32>
    %swap3A_25 = vector.shape_cast %swap3A_24 : vector<1x1000x128xf32> to vector<1000x128xf32>
    %swap3A_26 = vector.shape_cast %slice3A_20 : vector<1000x128xf32> to vector<1x1000x128xf32>
    tpu.vector_store %arg7[%swap3A_21, %swap3A_22, %swap3A_23], %swap3A_26 {strides = array<i32>} : memref<8x1000x128xf32, #tpu.memory_space<vmem>>, vector<1x1000x128xf32>,
    %slice3A_27 = vector.extract_strided_slice %dot_general3A_7 {offsets = [0, 384], sizes = [1000, 128], strides = [1, 1]} : vector<1000x1024xf32> to vector<1000x128xf32>
    %swap3A_28 = arith.constant 3 : index
    %swap3A_29 = arith.constant 0 : index
    %swap3A_30 = arith.constant 0 : index
    %swap3A_31 = vector.load %arg7[%swap3A_28, %swap3A_29, %swap3A_30] : memref<8x1000x128xf32, #tpu.memory_space<vmem>>, vector<1x1000x128xf32>
    %swap3A_32 = vector.shape_cast %swap3A_31 : vector<1x1000x128xf32> to vector<1000x128xf32>
    %swap3A_33 = vector.shape_cast %slice3A_27 : vector<1000x128xf32> to vector<1x1000x128xf32>
    tpu.vector_store %arg7[%swap3A_28, %swap3A_29, %swap3A_30], %swap3A_33 {strides = array<i32>} : memref<8x1000x128xf32, #tpu.memory_space<vmem>>, vector<1x1000x128xf32>,
    %slice3A_34 = vector.extract_strided_slice %dot_general3A_7 {offsets = [0, 512], sizes = [1000, 128], strides = [1, 1]} : vector<1000x1024xf32> to vector<1000x128xf32>
    %swap3A_35 = arith.constant 4 : index
    %swap3A_36 = arith.constant 0 : index
    %swap3A_37 = arith.constant 0 : index
    %swap3A_38 = vector.load %arg7[%swap3A_35, %swap3A_36, %swap3A_37] : memref<8x1000x128xf32, #tpu.memory_space<vmem>>, vector<1x1000x128xf32>
    %swap3A_39 = vector.shape_cast %swap3A_38 : vector<1x1000x128xf32> to vector<1000x128xf32>
    %swap3A_40 = vector.shape_cast %slice3A_34 : vector<1000x128xf32> to vector<1x1000x128xf32>
    tpu.vector_store %arg7[%swap3A_35, %swap3A_36, %swap3A_37], %swap3A_40 {strides = array<i32>} : memref<8x1000x128xf32, #tpu.memory_space<vmem>>, vector<1x1000x128xf32>,
    %slice3A_41 = vector.extract_strided_slice %dot_general3A_7 {offsets = [0, 640], sizes = [1000, 128], strides = [1, 1]} : vector<1000x1024xf32> to vector<1000x128xf32>
    %swap3A_42 = arith.constant 5 : index
    %swap3A_43 = arith.constant 0 : index
    %swap3A_44 = arith.constant 0 : index
    %swap3A_45 = vector.load %arg7[%swap3A_42, %swap3A_43, %swap3A_44] : memref<8x1000x128xf32, #tpu.memory_space<vmem>>, vector<1x1000x128xf32>
    %swap3A_46 = vector.shape_cast %swap3A_45 : vector<1x1000x128xf32> to vector<1000x128xf32>
    %swap3A_47 = vector.shape_cast %slice3A_41 : vector<1000x128xf32> to vector<1x1000x128xf32>
    tpu.vector_store %arg7[%swap3A_42, %swap3A_43, %swap3A_44], %swap3A_47 {strides = array<i32>} : memref<8x1000x128xf32, #tpu.memory_space<vmem>>, vector<1x1000x128xf32>,
    %slice3A_48 = vector.extract_strided_slice %dot_general3A_7 {offsets = [0, 768], sizes = [1000, 128], strides = [1, 1]} : vector<1000x1024xf32> to vector<1000x128xf32>
    %swap3A_49 = arith.constant 6 : index
    %swap3A_50 = arith.constant 0 : index
    %swap3A_51 = arith.constant 0 : index
    %swap3A_52 = vector.load %arg7[%swap3A_49, %swap3A_50, %swap3A_51] : memref<8x1000x128xf32, #tpu.memory_space<vmem>>, vector<1x1000x128xf32>
    %swap3A_53 = vector.shape_cast %swap3A_52 : vector<1x1000x128xf32> to vector<1000x128xf32>
    %swap3A_54 = vector.shape_cast %slice3A_48 : vector<1000x128xf32> to vector<1x1000x128xf32>
    tpu.vector_store %arg7[%swap3A_49, %swap3A_50, %swap3A_51], %swap3A_54 {strides = array<i32>} : memref<8x1000x128xf32, #tpu.memory_space<vmem>>, vector<1x1000x128xf32>,
    %slice3A_55 = vector.extract_strided_slice %dot_general3A_7 {offsets = [0, 896], sizes = [1000, 128], strides = [1, 1]} : vector<1000x1024xf32> to vector<1000x128xf32>
    %swap3A_56 = arith.constant 7 : index
    %swap3A_57 = arith.constant 0 : index
    %swap3A_58 = arith.constant 0 : index
    %swap3A_59 = vector.load %arg7[%swap3A_56, %swap3A_57, %swap3A_58] : memref<8x1000x128xf32, #tpu.memory_space<vmem>>, vector<1x1000x128xf32>
    %swap3A_60 = vector.shape_cast %swap3A_59 : vector<1x1000x128xf32> to vector<1000x128xf32>
    %swap3A_61 = vector.shape_cast %slice3A_55 : vector<1000x128xf32> to vector<1x1000x128xf32>
    tpu.vector_store %arg7[%swap3A_56, %swap3A_57, %swap3A_58], %swap3A_61 {strides = array<i32>} : memref<8x1000x128xf32, #tpu.memory_space<vmem>>, vector<1x1000x128xf32>,
    %get3A_62 = arith.constant 0 : index
    %get3A_63 = arith.constant 0 : index
    %get3A_64 = vector.load %arg4[%get3A_62, %get3A_63] : memref<128x128xf32, #tpu.memory_space<vmem>>, vector<128x128xf32>
    %dot_general3A_65 = arith.constant dense<0.000000e+00> : vector<1000x128xf32>
    %dot_general3A_66 = tpu.matmul %get3A_3, %get3A_64, %dot_general3A_65 {dimension_numbers = #tpu.dot_dimension_numbers<[1], [0], [0], [1], [0, 0, 1, 1], [], []>, transpose_lhs_hint = false} : vector<1000x128xf32>, vector<128x128xf32>, vector<1000x128xf32> -> vector<1000x128xf32>
    %swap3A_67 = arith.constant 0 : index
    %swap3A_68 = arith.constant 0 : index
    %swap3A_69 = vector.load %arg8[%swap3A_67, %swap3A_68] : memref<1000x128xf32, #tpu.memory_space<vmem>>, vector<1000x128xf32>
    tpu.vector_store %arg8[%swap3A_67, %swap3A_68], %dot_general3A_66 {strides = array<i32>} : memref<1000x128xf32, #tpu.memory_space<vmem>>, vector<1000x128xf32>,
    %iota3A = tpu.iota {dimensions = array<i32: 0>} : vector<3x128xi32>
    %mul3A = arith.constant 128 : i32
    %mul3A_70 = vector.broadcast %mul3A : i32 to vector<3x128xi32>
    %mul3A_71 = arith.muli %iota3A, %mul3A_70 : vector<3x128xi32>
    %iota3A_72 = tpu.iota {dimensions = array<i32: 1>} : vector<3x128xi32>
    %add3A = arith.addi %mul3A_71, %iota3A_72 : vector<3x128xi32>
    %get3A_73 = arith.constant 0 : index
    %get3A_74 = arith.constant 0 : index
    %get3A_75 = vector.load %arg5[%get3A_73, %get3A_74] : memref<2x16000xi32, #tpu.memory_space<vmem>>, vector<1x16000xi32>
    %get3A_76 = vector.shape_cast %get3A_75 : vector<1x16000xi32> to vector<16000xi32>
    %reshape3A = vector.shape_cast %get3A_76 : vector<16000xi32> to vector<125x128xi32>
    %get3A_77 = arith.constant 1 : index
    %get3A_78 = arith.constant 0 : index
    %get3A_79 = vector.load %arg5[%get3A_77, %get3A_78] : memref<2x16000xi32, #tpu.memory_space<vmem>>, vector<1x16000xi32>
    %get3A_80 = vector.shape_cast %get3A_79 : vector<1x16000xi32> to vector<16000xi32>
    %reshape3A_81 = vector.shape_cast %get3A_80 : vector<16000xi32> to vector<125x128xi32>
    %mul3A_82 = arith.constant 125 : i32
    %mul3A_83 = arith.muli %arg0, %mul3A_82 : i32
    %mul3A_84 = arith.constant 128 : i32
    %mul3A_85 = arith.muli %mul3A_83, %mul3A_84 : i32
    %get3A_86 = arith.index_cast %mul3A_85 : i32 to index
    %get3A_87 = vector.load %arg6[%get3A_86] : memref<160000xi32, #tpu.memory_space<vmem>>, vector<16000xi32>
    %reshape3A_88 = vector.shape_cast %get3A_87 : vector<16000xi32> to vector<125x128xi32>
    %mul3A_89 = arith.constant 10000 : i32
    %mul3A_90 = vector.broadcast %mul3A_89 : i32 to vector<125x128xi32>
    %mul3A_91 = arith.muli %reshape3A_88, %mul3A_90 : vector<125x128xi32>
    %add3A_92 = arith.addi %mul3A_91, %reshape3A : vector<125x128xi32>
    %concatenate3A = tpu.concatenate %add3A_92, %add3A in 0 : vector<125x128xi32>, vector<3x128xi32> -> vector<128x128xi32>
    %swap3A_93 = arith.constant 0 : index
    %swap3A_94 = arith.constant 0 : index
    %swap3A_95 = vector.load %arg9[%swap3A_93, %swap3A_94] : memref<128x128xi32, #tpu.memory_space<vmem>>, vector<128x128xi32>
    tpu.vector_store %arg9[%swap3A_93, %swap3A_94], %concatenate3A {strides = array<i32>} : memref<128x128xi32, #tpu.memory_space<vmem>>, vector<128x128xi32>,
    %jit3A = arith.constant 240 : i32
    %eq3A_96 = arith.constant 0 : i32
    %eq3A_97 = arith.cmpi eq, %jit3A, %eq3A_96 : i32
    %jit3A_98 = arith.constant 1 : i32
    %select_n3A = arith.select %eq3A_97, %jit3A_98, %jit3A : i32
    %rem3A = vector.broadcast %select_n3A : i32 to vector<3x128xi32>
    %rem3A_99 = arith.remsi %add3A, %rem3A : vector<3x128xi32>
    %ne3A = arith.constant 0 : i32
    %ne3A_100 = vector.broadcast %ne3A : i32 to vector<3x128xi32>
    %ne3A_101 = arith.cmpi ne, %rem3A_99, %ne3A_100 : vector<3x128xi32>
    %lt3A = arith.constant 0 : i32
    %lt3A_102 = vector.broadcast %lt3A : i32 to vector<3x128xi32>
    %lt3A_103 = arith.cmpi slt, %rem3A_99, %lt3A_102 : vector<3x128xi32>
    %lt3A_104 = arith.constant 0 : i32
    %lt3A_105 = arith.cmpi slt, %select_n3A, %lt3A_104 : i32
    %ne3A_106 = vector.broadcast %lt3A_105 : i1 to vector<3x128xi1>
    %ne3A_107 = vector.broadcast %ne3A_106 : vector<3x128xi1> to vector<3x128xi1>
    %ne3A_108 = arith.xori %lt3A_103, %ne3A_107 : vector<3x128xi1>
    %and3A = arith.andi %ne3A_108, %ne3A_101 : vector<3x128xi1>
    %add3A_109 = vector.broadcast %select_n3A : i32 to vector<3x128xi32>
    %add3A_110 = arith.addi %rem3A_99, %add3A_109 : vector<3x128xi32>
    %select_n3A_111 = arith.select %and3A, %add3A_110, %rem3A_99 : vector<3x128xi1>, vector<3x128xi32>
    %add3A_112 = arith.constant 10000 : i32
    %add3A_113 = vector.broadcast %add3A_112 : i32 to vector<3x128xi32>
    %add3A_114 = arith.addi %add3A_113, %select_n3A_111 : vector<3x128xi32>
    %concatenate3A_115 = tpu.concatenate %reshape3A_81, %add3A_114 in 0 : vector<125x128xi32>, vector<3x128xi32> -> vector<128x128xi32>
    %swap3A_116 = arith.constant 0 : index
    %swap3A_117 = arith.constant 0 : index
    %swap3A_118 = vector.load %arg10[%swap3A_116, %swap3A_117] : memref<128x128xi32, #tpu.memory_space<vmem>>, vector<128x128xi32>
    tpu.vector_store %arg10[%swap3A_116, %swap3A_117], %concatenate3A_115 {strides = array<i32>} : memref<128x128xi32, #tpu.memory_space<vmem>>, vector<128x128xi32>,
    return
  }
  func.func @transform_0(%arg0: i32) -> (i32, i32) {
    %c0_i32 = arith.constant 0 : i32
    %c0_i32_0 = arith.constant 0 : i32
    %c0_i32_1 = arith.constant 0 : i32
    return %c0_i32, %c0_i32_0 : i32, i32
  }
  func.func @transform_1(%arg0: i32) -> (i32, i32, i32) {
    %c0_i32 = arith.constant 0 : i32
    %c0_i32_0 = arith.constant 0 : i32
    %c0_i32_1 = arith.constant 0 : i32
    %c0_i32_2 = arith.constant 0 : i32
    return %c0_i32, %c0_i32_0, %c0_i32_1 : i32, i32, i32
  }
  func.func @transform_2(%arg0: i32) -> (i32, i32) {
    %c0_i32 = arith.constant 0 : i32
    %c0_i32_0 = arith.constant 0 : i32
    return %arg0, %c0_i32 : i32, i32
  }
  func.func @transform_3(%arg0: i32) -> (i32, i32) {
    %c0_i32 = arith.constant 0 : i32
    %c0_i32_0 = arith.constant 0 : i32
    %c0_i32_1 = arith.constant 0 : i32
    return %c0_i32, %c0_i32_0 : i32, i32
  }
  func.func @transform_4(%arg0: i32) -> (i32, i32) {
    %c0_i32 = arith.constant 0 : i32
    %c0_i32_0 = arith.constant 0 : i32
    return %c0_i32, %arg0 : i32, i32
  }
  func.func @transform_5(%arg0: i32) -> i32 {
    %c0_i32 = arith.constant 0 : i32
    %c0_i32_0 = arith.constant 0 : i32
    return %c0_i32 : i32
  }
  func.func @transform_6(%arg0: i32) -> (i32, i32, i32) {
    %c0_i32 = arith.constant 0 : i32
    %c0_i32_0 = arith.constant 0 : i32
    %c0_i32_1 = arith.constant 0 : i32
    return %c0_i32, %arg0, %c0_i32_0 : i32, i32, i32
  }
  func.func @transform_7(%arg0: i32) -> (i32, i32) {
    %c0_i32 = arith.constant 0 : i32
    %c0_i32_0 = arith.constant 0 : i32
    return %arg0, %c0_i32 : i32, i32
  }
  func.func @transform_8(%arg0: i32) -> (i32, i32) {
    %c0_i32 = arith.constant 0 : i32
    %c0_i32_0 = arith.constant 0 : i32
    return %arg0, %c0_i32 : i32, i32
  }
  func.func @transform_9(%arg0: i32) -> (i32, i32) {
    %c0_i32 = arith.constant 0 : i32
    %c0_i32_0 = arith.constant 0 : i32
    return %arg0, %c0_i32 : i32, i32
  }
}

</mosaic_0001>

<sc_bundles>
// kernel: kernel.5.cloned.1.call-start
scs
__scs_entry_jumppad:
0x0: {  	(pc) =	sbr.rel $0x88, $3  }
0x1: {  	(tag) =	ssettag $0x0;
	lr =	simm.s32 $0x1  }
0x2: {  	[smem:$0x3F9A] =	sst lr;
	_ =	strace $0xD0000000  }
0x3: {  	_ = 	snop  }
0x4: {  	_ = 	snop  }
0x5: {  	_ = 	snop  }
0x6: {  	_ = 	snop  }
0x7: {  	_ = 	snop  }
__scs_overlays_trampoline_lowered:
0x8: {  	[smem:$0x3FA9] =	sst s0  }
0x9: {  	[smem:$0x3FAA] =	sst s1  }
0xa: {  	[smem:$0x3FAB] =	sst s2  }
0xb: {  	[smem:$0x3FAC] =	sst s3  }
0xc: {  	[smem:$0x3FAD] =	sst s4  }
0xd: {  	[smem:$0x3FAE] =	sst s5  }
0xe: {  	[smem:$0x3FAF] =	sst s6  }
0xf: {  	[smem:$0x3FB0] =	sst s7  }
0x10: {  	[smem:$0x3FB1] =	sst s8  }
0x11: {  	[smem:$0x3FB2] =	sst s9;
	s0 =	simm.s32 @!p0 $0x0  }
0x12: {  	s1 =	sld [smem:$0x3F98];
	s0 =	simm.s32 @p0 $0x1  }
0x13: {  	[smem:$0x3FB3] =	sst s0;
	s0 =	simm.s32 @!p1 $0x0  }
0x14: {  	s2 =	sld [smem:$0x3F97];
	s0 =	simm.s32 @p1 $0x1  }
0x15: {  	[smem:$0x3FB4] =	sst s0;
	s0 =	simm.s32 @!p2 $0x0  }
0x16: {  	s3 =	sld [smem:$0x3FDB];
	s0 =	simm.s32 @p2 $0x1  }
0x17: {  	s4 =	simm.s32 $0x1BF5;
	[smem:$0x3FB6] =	sst s0  }
0x18: {  	s0 =	sld [smem:$0x3F99];
	_ =	swait.ge [sflag:s4], $0x0  }
0x19: {  	s7 =	sld [smem:$0x3F9A]  }
0x1a: {  	s8 =	sadd.s32 $0xFFFFE003, lr  }
0x1b: {  	s9 =	sadd.s32 $0xFFFFFEF7, lr;
	s5 =	simm.s32 $0xFFFFFFFF;
	p2 =	slt.u32 s8, $0xFFFFF086  }
0x1c: {  	p1 =	slt.u32 s9, $0xF7A;
	s5 =	simm.s32 @!p2 $0x0  }
0x1d: {  	s5 =	simm.s32 @p1 $0x1;
	p0 =	seq.s32 s7, s2  }
0x1e: {  	s7 =	smul.u32 @!p0 $0xF7A, s2;
	p2 =	seq.s32 @!p0 s5, $0x0  }
0x1f: {  	s9 =	smul.u32 $0xF7A, s1;
	s8 =	simm.s32 @!p0 $0x1BF5;
	p2 =	por !p2, p0  }
0x20: {  	[sflag:s8] =	ssyncset.s32 @!p0 $0xFFFFF086;
	s6 =	sadd.s32 @!p0 s3, s7;
	s7 =	simm.s32 @!p0 $0x108  }
0x21: {  	s3 =	sadd.s32 s3, s9;
	s6 =	sadd.s32 @!p0 $0x88, s6;
	s7 =	simm.s32 @p2 $0x1082  }
0x22: {  	[simem:s7], [sflag:s8] =	dma.local @!p0 [hbm:s6], $0xF7A  }
0x23: {  	s9 =	sor.u32 $0xD0000000, s2;
	s6 =	simm.s32 $0x108;
	_ =	swait.ge @!p0 [sflag:s8], $0x0  }
0x24: {  	s3 =	sadd.s32 $0x88, s3;
	s6 =	simm.s32 @!p1 $0x1082;
	[sflag:s4] =	ssyncset.s32 $0xFFFFF086  }
0x25: {  	[simem:s6], [sflag:s4] =	dma.local [hbm:s3], $0xF7A  }
0x26: {  	[smem:$0x3F9A] =	sst s1;
	(tag) =	ssettag s2;
	_ =	strace s9  }
0x27: {  	s1 =	sld [smem:$0x3FAA]  }
0x28: {  	s2 =	sld [smem:$0x3FAB]  }
0x29: {  	s4 =	sld [smem:$0x3FAD]  }
0x2a: {  	p0 =	seq.s32 s5, $0x0;
	s5 =	sld [smem:$0x3FAE]  }
0x2b: {  	s6 =	sld [smem:$0x3FAF]  }
0x2c: {  	s7 =	sld [smem:$0x3FB0]  }
0x2d: {  	s3 =	simm.s32 $0x108;
	s8 =	sld [smem:$0x3FB1]  }
0x2e: {  	s3 =	simm.s32 @!p0 $0x1082;
	s9 =	sld [smem:$0x3FB2]  }
0x2f: {  	lr =	sadd.s32 s0, s3;
	s0 =	sld [smem:$0x3FA9]  }
0x30: {  	s3 =	sld [smem:$0x3FAC]  }
0x31: {  	[smem:$0x3FB5] =	sst s10  }
0x32: {  	s10 =	sld [smem:$0x3FB3];
	_ =	sdelay $0x3  }
0x33: {  	p0 =	seq.s32 s10, $0x1;
	s10 =	sld [smem:$0x3FB5];
	_ =	sdelay $0x3  }
0x34: {  	[smem:$0x3FB5] =	sst s10  }
0x35: {  	s10 =	sld [smem:$0x3FB4];
	_ =	sdelay $0x3  }
0x36: {  	p1 =	seq.s32 s10, $0x1;
	s10 =	sld [smem:$0x3FB5];
	_ =	sdelay $0x3  }
0x37: {  	[smem:$0x3FB5] =	sst s10  }
0x38: {  	s10 =	sld [smem:$0x3FB6]  }
0x39: {  	_ = 	snop;
	(pc) =	sbr.ind lr, $3  }
0x3a: {  	_ = 	snop  }
0x3b: {  	_ = 	snop  }
0x3c: {  	p2 =	seq.s32 s10, $0x1;
	s10 =	sld [smem:$0x3FB5]  }
0x3d: {  	_ =	shalt  }
0x3e: {  	_ =	shalt  }
0x3f: {  	_ =	shalt  }
0x40: {  	_ =	shalt  }
0x41: {  	_ =	shalt  }
0x42: {  	_ =	shalt  }
0x43: {  	_ =	shalt  }
0x44: {  	_ =	shalt  }
0x45: {  	_ =	shalt  }
0x46: {  	_ =	shalt  }
0x47: {  	_ =	shalt  }
0x48: {  	_ =	shalt  }
0x49: {  	_ =	shalt  }
0x4a: {  	_ =	shalt  }
0x4b: {  	_ =	shalt  }
0x4c: {  	_ =	shalt  }
0x4d: {  	_ =	shalt  }
0x4e: {  	_ =	shalt  }
0x4f: {  	_ =	shalt  }
0x50: {  	_ =	shalt  }
0x51: {  	_ =	shalt  }
0x52: {  	_ =	shalt  }
0x53: {  	_ =	shalt  }
0x54: {  	_ =	shalt  }
0x55: {  	_ =	shalt  }
0x56: {  	_ =	shalt  }
0x57: {  	_ =	shalt  }
0x58: {  	_ =	shalt  }
0x59: {  	_ =	shalt  }
0x5a: {  	_ =	shalt  }
0x5b: {  	_ =	shalt  }
0x5c: {  	_ =	shalt  }
0x5d: {  	_ =	shalt  }
0x5e: {  	_ =	shalt  }
0x5f: {  	_ =	shalt  }
0x60: {  	_ =	shalt  }
0x61: {  	_ =	shalt  }
0x62: {  	_ =	shalt  }
0x63: {  	_ =	shalt  }
0x64: {  	_ =	shalt  }
0x65: {  	_ =	shalt  }
0x66: {  	_ =	shalt  }
0x67: {  	_ =	shalt  }
0x68: {  	_ =	shalt  }
0x69: {  	_ =	shalt  }
0x6a: {  	_ =	shalt  }
0x6b: {  	_ =	shalt  }
0x6c: {  	_ =	shalt  }
0x6d: {  	_ =	shalt  }
0x6e: {  	_ =	shalt  }
0x6f: {  	_ =	shalt  }
0x70: {  	_ =	shalt  }
0x71: {  	_ =	shalt  }
0x72: {  	_ =	shalt  }
0x73: {  	_ =	shalt  }
0x74: {  	_ =	shalt  }
0x75: {  	_ =	shalt  }
0x76: {  	_ =	shalt  }
0x77: {  	_ =	shalt  }
0x78: {  	_ =	shalt  }
0x79: {  	_ =	shalt  }
0x7a: {  	_ =	shalt  }
0x7b: {  	_ =	shalt  }
0x7c: {  	_ =	shalt  }
0x7d: {  	_ =	shalt  }
0x7e: {  	_ =	shalt  }
0x7f: {  	_ =	shalt  }
0x80: {  	_ =	shalt  }
0x81: {  	_ =	shalt  }
0x82: {  	_ =	shalt  }
0x83: {  	_ =	shalt  }
0x84: {  	_ =	shalt  }
0x85: {  	_ =	shalt  }
0x86: {  	_ =	shalt  }
0x87: {  	_ =	shalt  }
.Lfunc_end0:
.L_simem_size_0:
called_computation_lowered:
.L_overlay_start_0:
0x88: {  	s2 =	sld [smem:$0x3FD9]  }
0x89: {  	s3 =	sld [smem:$0x3FFE];
	_ =	sdelay $0x1  }
0x8a: {  	s1 =	srdreg.scid  }
0x8b: {  	s0 =	sand.u32 $0x1, s1  }
0x8c: {  	s17 =	sshll.u32 s0, $0xA;
	s2 =	sadd.s32 s3, s2  }
0x8d: {  	s2 =	sadd.s32 s2, s17  }
0x8e: {  	[smem:$0x3FC1] =	sst s2  }
0x8f: {  	_ = 	snop  }
0x90: {  	s2 =	sld [smem:$0x3FD0];
	(tm) =	ssettm $0x1  }
0x91: {  	s18 =	sld [smem:$0x3FFB];
	_ =	sdelay $0x3  }
0x92: {  	_ =	strace s18  }
0x93: {  	s3 =	sld [smem:$0x3FFC];
	_ =	sdelay $0x3  }
0x94: {  	_ =	strace s3  }
0x95: {  	s3 =	sld [smem:$0x3FFD];
	_ =	sdelay $0x3  }
0x96: {  	_ =	strace s3  }
0x97: {  	_ =	strace $0x8FFFFFFF  }
0x98: {  	s19 =	sld [smem:$0x3FDB];
	_ =	sdelay $0x1  }
0x99: {  	s4 =	simm.s32 $_scs_section_size  }
0x9a: {  	s5 =	simm.s32 $_size__tile_overlayer_lowered;
	s6 =	simm.s32 $_tile_overlayer_lowered  }
0x9b: {  	s22 =	simm.s32 $0x1BFF;
	s21 =	sshll.u32 s6, $0x1;
	s3 =	sadd.s32 s4, s19  }
0x9c: {  	s7 =	simm.s32 $0x0;
	s20 =	sshll.u32 s5, $0x1;
	s5 =	sadd.s32 s21, s3  }
0x9d: {  	[timem:s7], [sflag:s22] =	dma.local [hbm:s5], s20  }
0x9e: {  	_ =	swait.ge [sflag:s22], s20  }
0x9f: {  	s4 =	ssub.s32 $0x0, s20;
	[sflag:s22] =	ssyncset.done $0x0  }
0xa0: {  	[sflag:s22] =	ssyncadd.s32 s4;
	_ =	sdelay $0x1  }
0xa1: {  	s23 =	simm.s32 $0x1B8B  }
0xa2: {  	_ =	swait.ge [sflag:s23], $0x1  }
0xa3: {  	[sflag:s23] =	ssyncset.done $0x0  }
0xa4: {  	s25 =	simm.s32 $0x1B8E;
	s24 =	sld [smem:$0x3FFE];
	[sflag:s23] =	ssyncadd.s32 $0xFFFFFFFF  }
0xa5: {  	s26 =	simm.s32 $execute0_lowered;
	[smem:$0x3FD2] =	sst s25  }
0xa6: {  	s5 =	sshll.u32 s26, $0x1;
	_ =	strace $0x80000046;
	[dreg:$0x1] =	wrdreg $0xFFFFFFFF  }
0xa7: {  	s28 =	simm.s32 $_size_execute0_lowered;
	s3 =	sadd.s32 s3, s5;
	[dreg:$0x0] =	wrdreg $0x0  }
0xa8: {  	s5 =	sshll.u32 s28, $0x1;
	[dreg:$0x2] =	wrdreg s3  }
0xa9: {  	[dreg:$0x3] =	wrdreg s5  }
0xaa: {  	[dreg:$0x4] =	wrdreg $0xC0  }
0xab: {  	_ =	task [dreg:s7], $0x5FFFF  }
0xac: {  	[dreg:$0x1] =	wrdreg $0xFFFFFFFF  }
0xad: {  	[dreg:$0x0] =	wrdreg $0x60  }
0xae: {  	[dreg:$0x2] =	wrdreg s24  }
0xaf: {  	[dreg:$0x3] =	wrdreg s2  }
0xb0: {  	[dreg:$0x4] =	wrdreg $0xA8000  }
0xb1: {  	[dreg:$0x5] =	wrdreg $0x9  }
0xb2: {  	_ =	task.clear_ibuf [dreg:s7], $0x6FFFF;
	_ =	strace $0x90000046  }
0xb3: {  	s29 =	simm.s32 $0x9;
	_ =	strace $0x80000048  }
0xb4: {  	_ =	swait.ge [sflag:s29], $0x1  }
0xb5: {  	[sflag:s29] =	ssyncadd.s32 $0xFFFFFFFF  }
0xb6: {  	_ =	strace $0x90000048  }
0xb7: {  	_ =	sfence  }
0xb8: {  	s30 =	sld [smem:$0x0];
	_ =	sdelay $0x2  }
0xb9: {  	s31 =	sshll.u32 s1, $0xD;
	s1 =	sshrl.u32 s1, $0x2  }
0xba: {  	s3 =	sand.u32 $0x4000, s31;
	s1 =	sadd.s32 s1, s30  }
0xbb: {  	s0 =	sor.u32 s3, s0;
	s1 =	sshll.u32 s1, $0x11  }
0xbc: {  	s0 =	sor.u32 s1, s0  }
0xbd: {  	s0 =	sadd.s32 $0x8F2B, s0  }
0xbe: {  	[sflag:s0] =	ssyncadd.remote.s32 $0x1  }
0xbf: {  	_ =	sfence.sel $0xFFFF  }
0xc0: {  	[dreg:$0x0] =	wrdreg $0xFFFFFFFF;
	(pc) =	sbr.abs _section_cstart, $3  }
0xc1: {  	[dreg:$0x1] =	wrdreg $0xFFFFFFFF  }
0xc2: {  	_ =	task.clear_ibuf [dreg:s7], $0x2FFFF;
	_ =	strace $0x9FFFFFFF  }
0xc3: {  	(tm) =	ssettm $0x7FFFFFFF  }
tec
execute0_lowered:
.L_overlay_start_1:
0x0: {  	(tag) =	ssettag $0x1  }
0x1: {  	s7 =	rddreg [dreg:$0x0]  }
0x2: {  	s0 =	srdreg.scid;
	s8 =	rddreg [dreg:$0x1]  }
0x3: {  	s2 =	rddreg [dreg:$0x2];
	s3 =	simm.s32 $0x0;
	s14 =	simm.s32 $0x1  }
0x4: {  	s15 =	simm.s32 $0x2;
	s16 =	simm.s32 $0x3;
	s17 =	simm.s32 $0x80  }
0x5: {  	s18 =	simm.s32 $0x2800;
	s19 =	simm.s32 $0x6800;
	s20 =	simm.s32 $0x4  }
0x6: {  	s21 =	simm.s32 $0x2600;
	s22 =	simm.s32 $0x2680;
	s23 =	simm.s32 $0x1300  }
0x7: {  	s24 =	simm.s32 $0x1380;
	s25 =	simm.s32 $0x2700;
	s26 =	simm.s32 $0x2780  }
0x8: {  	s28 =	simm.s32 $0x5;
	s6 =	sand.u32 $0x1, s0;
	s0 =	stileid.u32  }
0x9: {  	s29 =	simm.s32 $0x0;
	[smem:$0x7FF] =	sst s3;
	s5 =	smul.u32 $0x2800, s0  }
0xa: {  	s4 =	sadd.s32 $0x1600, s7;
	s1 =	sshll.u32 s6, $0x4;
	s10 =	smul.u32 $0x28000, s6  }
0xb: {  	_ =	strace $0x80000047;
	s12 =	smul.u32 $0x50000, s0;
	s31 =	ssub.s32 $0x2, s6  }
0xc: {  	s6 =	sshll.u32 s0, $0x6;
	s1 =	sor.u32 s0, s1;
	s13 =	sshrl.u32 s31, $0x1  }
0xd: {  	s9 =	smul.u32 $0x280, s1;
	s10 =	sadd.s32 s5, s10;
	s5 =	sadd.s32 $0x13EE00, s7  }
0xe: {  	s12 =	sshrl.u32 s12, $0x2;
	s13 =	ssub.s32 s31, s13;
	s10 =	sadd.s32 s10, s7  }
0xf: {  	s12 =	sadd.s32 s12, s2;
	s11 =	sadd.s32 s9, s7;
	s7 =	sor.u32 $0x1C01, s6  }
0x10: {  	s8 =	sadd.s32 s8, s9;
	s10 =	sadd.s32 $0x141600, s10;
	s12 =	sshrl.u32 s12, $0x3  }
0x11: {  	s9 =	sadd.s32 $0x139E00, s11;
	s11 =	smax.u32 s13, $0x1;
	s13 =	simm.s32 $0x1400  }
.LBB2_1:
0x12: {  	[spmem:s12], [sflag:s7] =	dma.local [hbm:s5], $0x2800  }
0x13: {  	[tilespmem:s3], [sflag:$0x2] =	stream.linear.gather [hbm4b:s8+s3], $0x1400, $0x38;
	[tilespmem:$0x1E800] =	vst v63  }
0x14: {  	_ = 	snop  }
0x15: {  	[tilespmem:s13], [sflag:$0x3] =	stream.linear.gather [hbm4b:s9+s3], $0x1400, $0x38;
	[tilespmem:$0x1E800] =	vst v63  }
0x16: {  	_ =	swait.ge [sflag:s14], $0x2800  }
0x17: {  	[sflag:s14] =	ssyncset.done $0x0  }
0x18: {  	[sflag:s14] =	ssyncadd.s32 $0xFFFFD800  }
0x19: {  	_ =	swait.ge [sflag:s15], $0x1400  }
0x1a: {  	[sflag:s15] =	ssyncset.done $0x0  }
0x1b: {  	[sflag:s15] =	ssyncadd.s32 $0xFFFFEC00  }
0x1c: {  	_ =	swait.ge [sflag:s16], $0x1400  }
0x1d: {  	[sflag:s16] =	ssyncset.done $0x0  }
0x1e: {  	[sflag:s16] =	ssyncadd.s32 $0xFFFFEC00  }
0x1f: {  	[bflag:$0x0] =	sbarrier.arrive $0xFFFF  }
0x20: {  	[tilespmem:s18], [sflag:$0x1] =	stream.indirect.gather [hbm4b:s4+s17], $0x80, s3, s17, $0xb8;
	[tilespmem:$0x1E800] =	vst v63  }
0x21: {  	_ = 	snop  }
0x22: {  	[tilespmem:s19], [sflag:$0x2] =	stream.indirect.gather [hbm4b:s4+s17], $0x80, s17, s17, $0xb8;
	[tilespmem:$0x1E800] =	vst v63  }
0x23: {  	_ =	swait.ge [sflag:s14], $0x4000  }
0x24: {  	[sflag:s14] =	ssyncset.done $0x0  }
0x25: {  	s30 =	simm.s32 $0x1400;
	[sflag:s14] =	ssyncadd.s32 $0xFFFFC000  }
0x26: {  	[spmem:s2] =	stream.indirect.scatter.add.f32 [tilespmem:s18], [sflag:$0x3], $0x80, s30, s17, $0xb8;
	[tilespmem:$0x1E800] =	vst v63  }
0x27: {  	_ =	swait.ge [sflag:s15], $0x4000  }
0x28: {  	[sflag:s15] =	ssyncset.done $0x0  }
0x29: {  	s30 =	simm.s32 $0x1480;
	[sflag:s15] =	ssyncadd.s32 $0xFFFFC000  }
0x2a: {  	[spmem:s2] =	stream.indirect.scatter.add.f32 [tilespmem:s19], [sflag:$0x4], $0x80, s30, s17, $0xb8;
	[tilespmem:$0x1E800] =	vst v63  }
0x2b: {  	_ =	swait.ge [sflag:s16], $0x4000  }
0x2c: {  	[sflag:s16] =	ssyncset.done $0x0  }
0x2d: {  	s30 =	simm.s32 $0x100;
	[sflag:s16] =	ssyncadd.s32 $0xFFFFC000  }
0x2e: {  	[tilespmem:s18], [sflag:$0x1] =	stream.indirect.gather [hbm4b:s4+s17], $0x80, s30, s17, $0xb8;
	[tilespmem:$0x1E800] =	vst v63  }
0x2f: {  	_ =	swait.ge [sflag:s20], $0x4000  }
0x30: {  	[sflag:s20] =	ssyncset.done $0x0  }
0x31: {  	s31 =	simm.s32 $0x180;
	s30 =	simm.s32 $0x400;
	[sflag:s20] =	ssyncadd.s32 $0xFFFFC000  }
.LBB2_2:
0x32: {  	[tilespmem:s19], [sflag:$0x2] =	stream.indirect.gather [hbm4b:s4+s17], $0x80, s31, s17, $0xb8;
	[tilespmem:$0x1E800] =	vst v63  }
0x33: {  	s31 =	smov.u32 s30  }
0x34: {  	p0 =	sne.s32 s30, $0x4400;
	s30 =	sadd.s32 $0x400, s30;
	_ =	swait.ge [sflag:s14], $0x4000  }
0x35: {  	s31 =	sshra.s32 s31, $0x2;
	[sflag:s14] =	ssyncset.done $0x0  }
0x36: {  	s1 =	sadd.s32 $0x1400, s31;
	[sflag:s14] =	ssyncadd.s32 $0xFFFFC000  }
0x37: {  	[spmem:s2] =	stream.indirect.scatter.add.f32 [tilespmem:s18], [sflag:$0x3], $0x80, s1, s17, $0xb8;
	[tilespmem:$0x1E800] =	vst v63  }
0x38: {  	_ =	swait.ge [sflag:s15], $0x4000  }
0x39: {  	[sflag:s15] =	ssyncset.done $0x0  }
0x3a: {  	s1 =	sadd.s32 $0x1480, s31;
	[sflag:s15] =	ssyncadd.s32 $0xFFFFC000  }
0x3b: {  	[spmem:s2] =	stream.indirect.scatter.add.f32 [tilespmem:s19], [sflag:$0x4], $0x80, s1, s17, $0xb8;
	[tilespmem:$0x1E800] =	vst v63  }
0x3c: {  	_ =	swait.ge [sflag:s16], $0x4000  }
0x3d: {  	[sflag:s16] =	ssyncset.done $0x0  }
.Ltmp0:
0x3e: {  	s1 =	sadd.s32 $0x100, s31;
	[sflag:s16] =	ssyncadd.s32 $0xFFFFC000;
	(pc) =	sbr.rel @p0 .LBB2_2-.Ltmp0, $4  }
0x3f: {  	[tilespmem:s18], [sflag:$0x1] =	stream.indirect.gather [hbm4b:s4+s17], $0x80, s1, s17, $0xb8;
	[tilespmem:$0x1E800] =	vst v63  }
0x40: {  	_ =	swait.ge [sflag:s20], $0x4000  }
0x41: {  	[sflag:s20] =	ssyncset.done $0x0  }
0x42: {  	s31 =	sadd.s32 $0x180, s31;
	[sflag:s20] =	ssyncadd.s32 $0xFFFFC000  }
0x43: {  	[tilespmem:s19], [sflag:$0x2] =	stream.indirect.gather [hbm4b:s4+s17], $0x80, s31, s17, $0xb8;
	[tilespmem:$0x1E800] =	vst v63  }
0x44: {  	_ =	swait.ge [sflag:s14], $0x4000  }
0x45: {  	[sflag:s14] =	ssyncset.done $0x0  }
0x46: {  	[sflag:s14] =	ssyncadd.s32 $0xFFFFC000  }
0x47: {  	[spmem:s2] =	stream.indirect.scatter.add.f32 [tilespmem:s18], [sflag:$0x3], $0x80, s21, s17, $0xb8;
	[tilespmem:$0x1E800] =	vst v63  }
0x48: {  	_ =	swait.ge [sflag:s15], $0x4000  }
0x49: {  	[sflag:s15] =	ssyncset.done $0x0  }
0x4a: {  	[sflag:s15] =	ssyncadd.s32 $0xFFFFC000  }
0x4b: {  	[spmem:s2] =	stream.indirect.scatter.add.f32 [tilespmem:s19], [sflag:$0x4], $0x80, s22, s17, $0xb8;
	[tilespmem:$0x1E800] =	vst v63  }
0x4c: {  	_ =	swait.ge [sflag:s16], $0x4000  }
0x4d: {  	[sflag:s16] =	ssyncset.done $0x0  }
0x4e: {  	[sflag:s16] =	ssyncadd.s32 $0xFFFFC000  }
0x4f: {  	[tilespmem:s18], [sflag:$0x1] =	stream.indirect.gather [hbm4b:s4+s17], $0x80, s23, s17, $0xb8;
	[tilespmem:$0x1E800] =	vst v63  }
0x50: {  	_ =	swait.ge [sflag:s20], $0x4000  }
0x51: {  	[sflag:s20] =	ssyncset.done $0x0  }
0x52: {  	[sflag:s20] =	ssyncadd.s32 $0xFFFFC000  }
0x53: {  	[tilespmem:s19], [sflag:$0x2] =	stream.indirect.gather [hbm4b:s4+s17], $0x80, s24, s17, $0xb8;
	[tilespmem:$0x1E800] =	vst v63  }
0x54: {  	_ =	swait.ge [sflag:s14], $0x4000  }
0x55: {  	[sflag:s14] =	ssyncset.done $0x0  }
0x56: {  	[sflag:s14] =	ssyncadd.s32 $0xFFFFC000  }
0x57: {  	[spmem:s2] =	stream.indirect.scatter.add.f32 [tilespmem:s18], [sflag:$0x3], $0x80, s25, s17, $0xb8;
	[tilespmem:$0x1E800] =	vst v63  }
0x58: {  	_ =	swait.ge [sflag:s15], $0x4000  }
0x59: {  	[sflag:s15] =	ssyncset.done $0x0  }
0x5a: {  	[sflag:s15] =	ssyncadd.s32 $0xFFFFC000  }
0x5b: {  	[spmem:s2] =	stream.indirect.scatter.add.f32 [tilespmem:s19], [sflag:$0x4], $0x80, s26, s17, $0xb8;
	[tilespmem:$0x1E800] =	vst v63  }
0x5c: {  	_ =	swait.ge [sflag:s16], $0x4000  }
0x5d: {  	[sflag:s16] =	ssyncset.done $0x0  }
0x5e: {  	[sflag:s16] =	ssyncadd.s32 $0xFFFFC000  }
0x5f: {  	[tilespmem:s18], [sflag:$0x1] =	stream.indirect.gather [hbm4b:s4+s17], $0x80, s24, s17, $0xb8;
	[tilespmem:$0x1E800] =	vst v63  }
0x60: {  	_ =	swait.ge [sflag:s20], $0x4000  }
0x61: {  	[sflag:s20] =	ssyncset.done $0x0  }
0x62: {  	[sflag:s20] =	ssyncadd.s32 $0xFFFFC000  }
0x63: {  	[tilespmem:s19], [sflag:$0x2] =	stream.indirect.gather [hbm4b:s4+s17], $0x80, s24, s17, $0xb8;
	[tilespmem:$0x1E800] =	vst v63  }
0x64: {  	_ =	swait.ge [sflag:s14], $0x4000  }
0x65: {  	[sflag:s14] =	ssyncset.done $0x0  }
0x66: {  	[sflag:s14] =	ssyncadd.s32 $0xFFFFC000  }
0x67: {  	_ =	swait.ge [sflag:s15], $0x4000  }
0x68: {  	s29 =	sadd.s32 $0x1, s29;
	[sflag:s15] =	ssyncset.done $0x0  }
0x69: {  	p0 =	sne.s32 s29, s11;
	[sflag:s15] =	ssyncadd.s32 $0xFFFFC000  }
.Ltmp1:
0x6a: {  	s1 =	sor.u32 $0x1C05, s6;
	[bflag:$0x0] =	sbarrier.arrive $0xFFFF;
	(pc) =	sbr.rel @p0 .LBB2_1-.Ltmp1, $4  }
0x6b: {  	[hbm:s10], [sflag:s1] =	dma.local [spmem:s12], $0x2800  }
0x6c: {  	_ =	swait.ge [sflag:s28], $0x2800  }
0x6d: {  	[sflag:s28] =	ssyncset.done $0x0  }
0x6e: {  	[sflag:s28] =	ssyncadd.s32 $0xFFFFD800  }
0x6f: {  	_ =	sfence.sel $0x180000  }
0x70: {  	[bflag:$0x0] =	sbarrier.arrive $0xFFFF  }
0x71: {  	_ =	strace $0x90000047  }
0x72: {  	[bflag:$0x2] =	sbarrier.arrive $0xFFFF  }
0x73: {  	p0 =	sne.s32 s0, $0x0;
	s0 =	rddreg [dreg:$0x3]  }
0x74: {  	s0 =	sadd.s32 @!p0 $0x100000, s0  }
0x75: {  	[sflag:s0] =	ssyncadd.tile.s32 @!p0 $0x1;
	_ =	shalt  }
.Lfunc_end2:
_tile_overlayer_lowered:
.L_overlay_start_2:
0x76: {  	(tag) =	ssettag $0x2  }
0x77: {  	s0 =	rddreg [dreg:$0x0];
	s2 =	stileid.u32  }
0x78: {  	s1 =	rddreg [dreg:$0x1];
	p0 =	sne.s32 s2, $0x0  }
0x79: {  	s3 =	rddreg [dreg:$0x2];
	[bflag:$0x3] =	sbarrier.arrive $0xFFFF;
	s2 =	simm.s32 @!p0 $0x1C05  }
0x7a: {  	[timem:s3], [sflag:s2] =	dma.local @!p0 [hbm:s0], s1  }
0x7b: {  	s0 =	simm.s32 @!p0 $0x5  }
0x7c: {  	_ =	swait.ge @!p0 [sflag:s0], s1  }
0x7d: {  	s1 =	ssub.s32 @!p0 $0x0, s1;
	[sflag:s0] =	ssyncset.done @!p0 $0x0  }
0x7e: {  	[sflag:s0] =	ssyncadd.s32 @!p0 s1  }
0x7f: {  	[bflag:$0x3] =	sbarrier.arrive $0xFFFF  }
0x80: {  	_ =	shalt  }

</sc_bundles>
